<compile_context>
chip_gen: v7x
topology: tpu7x:2x2x1
jax: 0.10.2.dev20260603
libtpu: 0.0.44.dev20260713+nightly
codegen_flags: <defaults>
</compile_context>

<pallas_src>
import jax
import jax.numpy as jnp
from jax import lax
from jax.experimental import pallas as pl
from jax.experimental.pallas import tpu as pltpu
from jax.experimental.pallas import tpu_sc as plsc

B = 16384
S = 4096
CB = 2048
NC = 2
NS = 16
NW = NC * NS
RPW = S // NW
G = RPW // 16


def _sc_body(pbT, psT, pbmT, psmT, tbl_hbm, pb_out, ps_out,
             pbv, psv, pbmv, psmv, tblv, sem):
    wid = lax.axis_index("s") * NC + lax.axis_index("c")
    base = wid * RPW

    cps = [
        pltpu.async_copy(pbT.at[:, pl.ds(base, RPW)], pbv, sem),
        pltpu.async_copy(pbmT.at[:, pl.ds(base, RPW)], pbmv, sem),
        pltpu.async_copy(psT.at[:, pl.ds(base, RPW)], psv, sem),
        pltpu.async_copy(psmT.at[:, pl.ds(base, RPW)], psmv, sem),
        pltpu.async_copy(tbl_hbm, tblv, sem),
    ]
    for c in cps:
        c.wait()

    def const(k):
        return tblv[k, :]

    d_pb = [const(k) for k in range(9)]
    d_def = [const(9 + k) for k in range(2)]
    d_nw = [const(11 + k) for k in range(2)]
    d_w = [const(13 + k) for k in range(2)]
    d_h1tt = [const(15 + k) for k in range(2)]
    d_h1tt_off = [const(17 + k) for k in range(2)]
    d_h1c = [const(19 + k) for k in range(3)]
    d_h1c_on = [const(22 + k) for k in range(3)]
    d_h1c_off = [const(25 + k) for k in range(3)]
    d_h2tt = [const(28 + k) for k in range(2)]
    d_h2tt_off = [const(30 + k) for k in range(2)]
    d_h2c = [const(32 + k) for k in range(2)]
    d_h2c_on = [const(34 + k) for k in range(2)]
    d_h2c_off = [const(36 + k) for k in range(2)]
    d_ps = [const(38 + k) for k in range(6)]

    def group(g, carry):
        off = g * 16

        def ld(buf, j):
            return buf[j, pl.ds(off, 16)]

        mb = [ld(pbmv, j) for j in range(9)]
        b0, b1, b2, b6 = ld(pbv, 0), ld(pbv, 1), ld(pbv, 2), ld(pbv, 6)
        pb1_0 = b0 * mb[0] + (1.0 - mb[0]) * d_pb[0]
        pb1_1 = b1 * mb[1] + (1.0 - mb[1]) * d_pb[1]
        pb1_2 = b2 * mb[2] + (1.0 - mb[2]) * d_pb[2]
        pb1_6 = b6 * mb[6] + (1.0 - mb[6]) * d_pb[6]

        has_nw = mb[0] > 0.5
        hot_nw = pb1_0 > 0.5
        has_w = mb[1] > 0.5
        hot_w = pb1_1 > 0.5
        ht1_known = mb[2] > 0.5
        ht1_hot = pb1_2 > 0.5
        ht2_known = mb[6] > 0.5
        ht2_hot = pb1_6 > 0.5

        pbv[0, pl.ds(off, 16)] = pb1_0
        pbv[1, pl.ds(off, 16)] = pb1_1
        pbv[2, pl.ds(off, 16)] = pb1_2
        pbv[6, pl.ds(off, 16)] = pb1_6
        for i, j in enumerate((3, 4, 5)):
            m = mb[j]
            pb1 = ld(pbv, j) * m + (1.0 - m) * d_pb[j]
            f = jnp.where(
                ht1_known,
                jnp.where(ht1_hot, d_h1c_on[i], d_h1c_off[i]), d_h1c[i])
            pbv[j, pl.ds(off, 16)] = pb1 * m + (1.0 - m) * f
        for i, j in enumerate((7, 8)):
            m = mb[j]
            pb1 = ld(pbv, j) * m + (1.0 - m) * d_pb[j]
            f = jnp.where(
                ht2_known,
                jnp.where(ht2_hot, d_h2c_on[i], d_h2c_off[i]), d_h2c[i])
            pbv[j, pl.ds(off, 16)] = pb1 * m + (1.0 - m) * f

        x0 = jnp.where(has_nw, jnp.where(hot_nw, d_nw[0], d_def[0]), d_def[0])
        x1 = jnp.where(has_nw, jnp.where(hot_nw, d_nw[1], d_def[1]), d_def[1])
        fills = [
            jnp.where(has_w, jnp.where(hot_w, d_w[0], x0), x0),
            jnp.where(has_w, jnp.where(hot_w, d_w[1], x1), x1),
            jnp.where(ht1_known,
                      jnp.where(ht1_hot, d_h1tt[0], d_h1tt_off[0]), d_h1tt[0]),
            jnp.where(ht1_known,
                      jnp.where(ht1_hot, d_h1tt[1], d_h1tt_off[1]), d_h1tt[1]),
            jnp.where(ht2_known,
                      jnp.where(ht2_hot, d_h2tt[0], d_h2tt_off[0]), d_h2tt[0]),
            jnp.where(ht2_known,
                      jnp.where(ht2_hot, d_h2tt[1], d_h2tt_off[1]), d_h2tt[1]),
        ]
        for j in range(6):
            m = ld(psmv, j)
            t = ld(psv, j) * m + (1.0 - m) * fills[j]
            psv[j, pl.ds(off, 16)] = t * m + (1.0 - m) * d_ps[j]
        return carry

    lax.fori_loop(0, G, group, 0)

    cps = [
        pltpu.async_copy(pbv, pb_out.at[:, pl.ds(base, RPW)], sem),
        pltpu.async_copy(psv, ps_out.at[:, pl.ds(base, RPW)], sem),
    ]
    for c in cps:
        c.wait()


def _tc_body(pb_ref, ps_ref, pbm_ref, psm_ref, prm_ref, pb_out_ref, ps_out_ref):
    pb = pb_ref[...]
    ps = ps_ref[...]
    pbm = pbm_ref[...]
    psm = psm_ref[...]
    prm = prm_ref[...]

    d_pb = prm[0:9, :]
    d_def, d_nw, d_w = prm[9:11, :], prm[11:13, :], prm[13:15, :]
    d_h1tt, d_h1tt_off = prm[15:17, :], prm[17:19, :]
    d_h1c, d_h1c_on, d_h1c_off = prm[19:22, :], prm[22:25, :], prm[25:28, :]
    d_h2tt, d_h2tt_off = prm[28:30, :], prm[30:32, :]
    d_h2c, d_h2c_on, d_h2c_off = prm[32:34, :], prm[34:36, :], prm[36:38, :]
    d_ps = prm[38:44, :]

    pb1 = pb * pbm + (1.0 - pbm) * d_pb

    cond_nw = (pbm[0:1, :] > 0.5) & (pb1[0:1, :] > 0.5)
    cond_w = (pbm[1:2, :] > 0.5) & (pb1[1:2, :] > 0.5)
    ht1_known = pbm[2:3, :] > 0.5
    ht1_hot = pb1[2:3, :] > 0.5
    ht1_on = ht1_known & ht1_hot
    ht1_off = ht1_known & (~ht1_hot)
    ht2_known = pbm[6:7, :] > 0.5
    ht2_hot = pb1[6:7, :] > 0.5
    ht2_on = ht2_known & ht2_hot
    ht2_off = ht2_known & (~ht2_hot)

    def_fill = jnp.where(cond_w, d_w, jnp.where(cond_nw, d_nw, d_def))
    ht1_tt = jnp.where(ht1_off, d_h1tt_off, d_h1tt)
    ht2_tt = jnp.where(ht2_off, d_h2tt_off, d_h2tt)
    ht1_cool = jnp.where(ht1_off, d_h1c_off,
                         jnp.where(ht1_on, d_h1c_on, d_h1c))
    ht2_cool = jnp.where(ht2_off, d_h2c_off,
                         jnp.where(ht2_on, d_h2c_on, d_h2c))

    pb_out_ref[0:3, :] = pb1[0:3, :]
    m36 = pbm[3:6, :]
    pb_out_ref[3:6, :] = pb1[3:6, :] * m36 + (1.0 - m36) * ht1_cool
    pb_out_ref[6:7, :] = pb1[6:7, :]
    m79 = pbm[7:9, :]
    pb_out_ref[7:9, :] = pb1[7:9, :] * m79 + (1.0 - m79) * ht2_cool

    fill_ps = jnp.concatenate([def_fill, ht1_tt, ht2_tt], axis=0)
    t = ps * psm + (1.0 - psm) * fill_ps
    ps_out_ref[...] = t * psm + (1.0 - psm) * d_ps


def kernel(proc_bool, proc_scalar, proc_bool_mask, proc_scalar_mask,
           p_pb_def, p_def_def, p_def_nw, p_def_w,
           p_ht1_tt_def, p_ht1_tt_off,
           p_ht1_cool_def, p_ht1_cool_on, p_ht1_cool_off,
           p_ht2_tt_def, p_ht2_tt_off,
           p_ht2_cool_def, p_ht2_cool_on, p_ht2_cool_off, p_ps_def):
    prm = jnp.concatenate(
        [p_pb_def, p_def_def, p_def_nw, p_def_w,
         p_ht1_tt_def, p_ht1_tt_off,
         p_ht1_cool_def, p_ht1_cool_on, p_ht1_cool_off,
         p_ht2_tt_def, p_ht2_tt_off,
         p_ht2_cool_def, p_ht2_cool_on, p_ht2_cool_off, p_ps_def])
    tbl = jnp.broadcast_to(prm[:, None], (44, 16))

    pbT, psT = proc_bool.T, proc_scalar.T
    pbmT, psmT = proc_bool_mask.T, proc_scalar_mask.T

    mesh = plsc.VectorSubcoreMesh(core_axis_name="c", subcore_axis_name="s")
    f32 = jnp.float32
    sck = pl.kernel(
        _sc_body,
        mesh=mesh,
        out_type=[jax.ShapeDtypeStruct((9, S), f32),
                  jax.ShapeDtypeStruct((6, S), f32)],
        scratch_types=[
            pltpu.VMEM((9, RPW), f32),
            pltpu.VMEM((6, RPW), f32),
            pltpu.VMEM((9, RPW), f32),
            pltpu.VMEM((6, RPW), f32),
            pltpu.VMEM((44, 16), f32),
            pltpu.SemaphoreType.DMA,
        ],
    )
    sc_pb, sc_ps = sck(pbT, psT, pbmT, psmT, tbl)

    grid = ((B - S) // CB,)
    off = S // CB
    col_spec9 = pl.BlockSpec((9, CB), lambda i: (0, i + off))
    col_spec6 = pl.BlockSpec((6, CB), lambda i: (0, i + off))
    out_spec9 = pl.BlockSpec((9, CB), lambda i: (0, i))
    out_spec6 = pl.BlockSpec((6, CB), lambda i: (0, i))
    prm_spec = pl.BlockSpec((44, 1), lambda i: (0, 0))

    tc_pb, tc_ps = pl.pallas_call(
        _tc_body,
        grid=grid,
        in_specs=[col_spec9, col_spec6, col_spec9, col_spec6, prm_spec],
        out_specs=[out_spec9, out_spec6],
        out_shape=[jax.ShapeDtypeStruct((9, B - S), f32),
                   jax.ShapeDtypeStruct((6, B - S), f32)],
        compiler_params=pltpu.CompilerParams(
            dimension_semantics=("parallel",)),
    )(pbT, psT, pbmT, psmT, prm[:, None])

    pb_out = jnp.concatenate([sc_pb, tc_pb], axis=1)
    ps_out = jnp.concatenate([sc_ps, tc_ps], axis=1)
    return (pb_out.T, ps_out.T)

# --- scband reference (transcript-rebuilt; emitter-appended) ---
"""Pipeline reference for scband-learned-masked-proc-47699906789492 (READ-ONLY COPY).

The authoritative reference and input builder live on the scoring server;
editing this copy changes nothing except your own understanding.
"""

import jax, jax.numpy as jnp
import numpy as np

B = 16384


def setup_inputs(seed: int = 0):
    key = jax.random.key(seed)
    ks = jax.random.split(key, 19)
    inp = {}
    inp["proc_bool"] = jax.random.uniform(ks[0], (B, 9), dtype=jnp.float32)
    inp["proc_scalar"] = jax.random.normal(ks[1], (B, 6), dtype=jnp.float32)
    inp["proc_bool_mask"] = jax.random.uniform(ks[2], (B, 9), dtype=jnp.float32)
    inp["proc_scalar_mask"] = jax.random.uniform(ks[3], (B, 6), dtype=jnp.float32)
    shapes = {"p_pb_def": 9, "p_def_def": 2, "p_def_nw": 2, "p_def_w": 2, "p_ht1_tt_def": 2, "p_ht1_tt_off": 2, "p_ht1_cool_def": 3, "p_ht1_cool_on": 3, "p_ht1_cool_off": 3, "p_ht2_tt_def": 2, "p_ht2_tt_off": 2, "p_ht2_cool_def": 2, "p_ht2_cool_on": 2, "p_ht2_cool_off": 2, "p_ps_def": 6}
    for i, (name, d) in enumerate(shapes.items()):
        inp[name] = jax.random.normal(ks[4 + i], (d,), dtype=jnp.float32) * 0.1
    return inp


def reference(proc_bool, proc_scalar, proc_bool_mask, proc_scalar_mask, p_pb_def, p_def_def, p_def_nw, p_def_w, p_ht1_tt_def, p_ht1_tt_off, p_ht1_cool_def, p_ht1_cool_on, p_ht1_cool_off, p_ht2_tt_def, p_ht2_tt_off, p_ht2_cool_def, p_ht2_cool_on, p_ht2_cool_off, p_ps_def):
    bs = proc_bool.shape[0]
    pb_mask = proc_bool_mask
    ps_mask = proc_scalar_mask
    pb = proc_bool * pb_mask + (1.0 - pb_mask) * p_pb_def[None, :]
    ps = proc_scalar

    def fill_slice(x, mask, lo, hi, fill):
        m = mask[:, lo:hi]
        return x.at[:, lo:hi].set(x[:, lo:hi] * m + (1.0 - m) * fill)

    has_nw = pb_mask[:, 0] > 0.5
    has_w = pb_mask[:, 1] > 0.5
    cond_nw = has_nw & (pb[:, 0] > 0.5)
    cond_w = has_w & (pb[:, 1] > 0.5)
    def_fill = jnp.broadcast_to(p_def_def[None, :], (bs, 2))
    def_fill = jnp.where(cond_nw[:, None], p_def_nw[None, :], def_fill)
    def_fill = jnp.where(cond_w[:, None], p_def_w[None, :], def_fill)
    ps = fill_slice(ps, ps_mask, 0, 2, def_fill)
    ht1_known = pb_mask[:, 2] > 0.5
    ht1_on = ht1_known & (pb[:, 2] > 0.5)
    ht1_off = ht1_known & (pb[:, 2] <= 0.5)
    ht1_tt = jnp.broadcast_to(p_ht1_tt_def[None, :], (bs, 2))
    ht1_tt = jnp.where(ht1_off[:, None], p_ht1_tt_off[None, :], ht1_tt)
    ps = fill_slice(ps, ps_mask, 2, 4, ht1_tt)
    ht1_cool = jnp.broadcast_to(p_ht1_cool_def[None, :], (bs, 3))
    ht1_cool = jnp.where(ht1_on[:, None], p_ht1_cool_on[None, :], ht1_cool)
    ht1_cool = jnp.where(ht1_off[:, None], p_ht1_cool_off[None, :], ht1_cool)
    pb = fill_slice(pb, pb_mask, 3, 6, ht1_cool)
    ht2_known = pb_mask[:, 6] > 0.5
    ht2_on = ht2_known & (pb[:, 6] > 0.5)
    ht2_off = ht2_known & (pb[:, 6] <= 0.5)
    ht2_tt = jnp.broadcast_to(p_ht2_tt_def[None, :], (bs, 2))
    ht2_tt = jnp.where(ht2_off[:, None], p_ht2_tt_off[None, :], ht2_tt)
    ps = fill_slice(ps, ps_mask, 4, 6, ht2_tt)
    ht2_cool = jnp.broadcast_to(p_ht2_cool_def[None, :], (bs, 2))
    ht2_cool = jnp.where(ht2_on[:, None], p_ht2_cool_on[None, :], ht2_cool)
    ht2_cool = jnp.where(ht2_off[:, None], p_ht2_cool_off[None, :], ht2_cool)
    pb = fill_slice(pb, pb_mask, 7, 9, ht2_cool)
    ps = ps * ps_mask + (1.0 - ps_mask) * p_ps_def[None, :]
    return (pb, ps)

if __name__ == "__main__":
    import jax
    _d = setup_inputs()
    print(jax.jit(kernel)(*tuple(_d.values())))

</pallas_src>

<mosaic_0001>
#map = affine_map<(d0, d1) -> (0, 0)>
module attributes {stable_mosaic.version = 14 : i64} {
  func.func @_sc_body(%arg0: i32, %arg1: i32, %arg2: memref<9x16384xf32, #tpu.memory_space<hbm>>, %arg3: memref<6x16384xf32, #tpu.memory_space<hbm>>, %arg4: memref<9x16384xf32, #tpu.memory_space<hbm>>, %arg5: memref<6x16384xf32, #tpu.memory_space<hbm>>, %arg6: memref<44x16xf32, #tpu.memory_space<hbm>>, %arg7: memref<9x4096xf32, #tpu.memory_space<hbm>>, %arg8: memref<6x4096xf32, #tpu.memory_space<hbm>>, %arg9: memref<9x128xf32, #tpu.memory_space<vmem>>, %arg10: memref<6x128xf32, #tpu.memory_space<vmem>>, %arg11: memref<9x128xf32, #tpu.memory_space<vmem>>, %arg12: memref<6x128xf32, #tpu.memory_space<vmem>>, %arg13: memref<44x16xf32, #tpu.memory_space<vmem>>, %arg14: memref<!tpu.dma_semaphore, #tpu.memory_space<semaphore_mem>>) attributes {dimension_semantics = [#tpu.dimension_semantics<core_parallel>, #tpu.dimension_semantics<subcore_parallel>], iteration_bounds = array<i64: 2, 16>, scalar_prefetch = 0 : i64, scratch_operands = 6 : i64, tpu.core_type = #tpu.core_type<sc_vector_subcore>, window_params = [{transform_indices = #map}, {transform_indices = #map}, {transform_indices = #map}, {transform_indices = #map}, {transform_indices = #map}, {transform_indices = #map}, {transform_indices = #map}]} {
    %mul3A = arith.constant 2 : i32
    %mul3A_0 = arith.muli %arg1, %mul3A : i32
    %add3A = arith.addi %mul3A_0, %arg0 : i32
    %mul3A_1 = arith.constant 128 : i32
    %mul3A_2 = arith.muli %add3A, %mul3A_1 : i32
    %dma_start3A = arith.constant 0 : i32
    %dma_start3A_3 = tpu.memref_slice %arg2[%dma_start3A, %mul3A_2] : memref<9x16384xf32, #tpu.memory_space<hbm>> -> memref<9x128xf32, #tpu.memory_space<hbm>>
    %dma_start3A_4 = arith.constant 0 : i32
    %dma_start3A_5 = tpu.memref_slice %arg2[%dma_start3A_4, %mul3A_2] : memref<9x16384xf32, #tpu.memory_space<hbm>> -> memref<9x128xf32, #tpu.memory_space<hbm>>
    tpu.enqueue_dma source(%dma_start3A_5 : memref<9x128xf32, #tpu.memory_space<hbm>>) target(%arg9 : memref<9x128xf32, #tpu.memory_space<vmem>>) target_semaphore(%arg14 : memref<!tpu.dma_semaphore, #tpu.memory_space<semaphore_mem>>)
    %dma_start3A_6 = arith.constant 0 : i32
    %dma_start3A_7 = tpu.memref_slice %arg4[%dma_start3A_6, %mul3A_2] : memref<9x16384xf32, #tpu.memory_space<hbm>> -> memref<9x128xf32, #tpu.memory_space<hbm>>
    %dma_start3A_8 = arith.constant 0 : i32
    %dma_start3A_9 = tpu.memref_slice %arg4[%dma_start3A_8, %mul3A_2] : memref<9x16384xf32, #tpu.memory_space<hbm>> -> memref<9x128xf32, #tpu.memory_space<hbm>>
    tpu.enqueue_dma source(%dma_start3A_9 : memref<9x128xf32, #tpu.memory_space<hbm>>) target(%arg11 : memref<9x128xf32, #tpu.memory_space<vmem>>) target_semaphore(%arg14 : memref<!tpu.dma_semaphore, #tpu.memory_space<semaphore_mem>>)
    %dma_start3A_10 = arith.constant 0 : i32
    %dma_start3A_11 = tpu.memref_slice %arg3[%dma_start3A_10, %mul3A_2] : memref<6x16384xf32, #tpu.memory_space<hbm>> -> memref<6x128xf32, #tpu.memory_space<hbm>>
    %dma_start3A_12 = arith.constant 0 : i32
    %dma_start3A_13 = tpu.memref_slice %arg3[%dma_start3A_12, %mul3A_2] : memref<6x16384xf32, #tpu.memory_space<hbm>> -> memref<6x128xf32, #tpu.memory_space<hbm>>
    tpu.enqueue_dma source(%dma_start3A_13 : memref<6x128xf32, #tpu.memory_space<hbm>>) target(%arg10 : memref<6x128xf32, #tpu.memory_space<vmem>>) target_semaphore(%arg14 : memref<!tpu.dma_semaphore, #tpu.memory_space<semaphore_mem>>)
    %dma_start3A_14 = arith.constant 0 : i32
    %dma_start3A_15 = tpu.memref_slice %arg5[%dma_start3A_14, %mul3A_2] : memref<6x16384xf32, #tpu.memory_space<hbm>> -> memref<6x128xf32, #tpu.memory_space<hbm>>
    %dma_start3A_16 = arith.constant 0 : i32
    %dma_start3A_17 = tpu.memref_slice %arg5[%dma_start3A_16, %mul3A_2] : memref<6x16384xf32, #tpu.memory_space<hbm>> -> memref<6x128xf32, #tpu.memory_space<hbm>>
    tpu.enqueue_dma source(%dma_start3A_17 : memref<6x128xf32, #tpu.memory_space<hbm>>) target(%arg12 : memref<6x128xf32, #tpu.memory_space<vmem>>) target_semaphore(%arg14 : memref<!tpu.dma_semaphore, #tpu.memory_space<semaphore_mem>>)
    tpu.enqueue_dma source(%arg6 : memref<44x16xf32, #tpu.memory_space<hbm>>) target(%arg13 : memref<44x16xf32, #tpu.memory_space<vmem>>) target_semaphore(%arg14 : memref<!tpu.dma_semaphore, #tpu.memory_space<semaphore_mem>>)
    %dma_wait3A = arith.constant 0 : i32
    %dma_wait3A_18 = tpu.memref_slice %arg2[%dma_wait3A, %mul3A_2] : memref<9x16384xf32, #tpu.memory_space<hbm>> -> memref<9x128xf32, #tpu.memory_space<hbm>>
    %dma_wait3A_19 = arith.constant 0 : i32
    %dma_wait3A_20 = tpu.memref_slice %arg2[%dma_wait3A_19, %mul3A_2] : memref<9x16384xf32, #tpu.memory_space<hbm>> -> memref<9x128xf32, #tpu.memory_space<hbm>>
    tpu.wait_dma2 semaphore(%arg14 : memref<!tpu.dma_semaphore, #tpu.memory_space<semaphore_mem>>) src(%dma_wait3A_20 : memref<9x128xf32, #tpu.memory_space<hbm>>) dst(%arg9 : memref<9x128xf32, #tpu.memory_space<vmem>>)
    %dma_wait3A_21 = arith.constant 0 : i32
    %dma_wait3A_22 = tpu.memref_slice %arg4[%dma_wait3A_21, %mul3A_2] : memref<9x16384xf32, #tpu.memory_space<hbm>> -> memref<9x128xf32, #tpu.memory_space<hbm>>
    %dma_wait3A_23 = arith.constant 0 : i32
    %dma_wait3A_24 = tpu.memref_slice %arg4[%dma_wait3A_23, %mul3A_2] : memref<9x16384xf32, #tpu.memory_space<hbm>> -> memref<9x128xf32, #tpu.memory_space<hbm>>
    tpu.wait_dma2 semaphore(%arg14 : memref<!tpu.dma_semaphore, #tpu.memory_space<semaphore_mem>>) src(%dma_wait3A_24 : memref<9x128xf32, #tpu.memory_space<hbm>>) dst(%arg11 : memref<9x128xf32, #tpu.memory_space<vmem>>)
    %dma_wait3A_25 = arith.constant 0 : i32
    %dma_wait3A_26 = tpu.memref_slice %arg3[%dma_wait3A_25, %mul3A_2] : memref<6x16384xf32, #tpu.memory_space<hbm>> -> memref<6x128xf32, #tpu.memory_space<hbm>>
    %dma_wait3A_27 = arith.constant 0 : i32
    %dma_wait3A_28 = tpu.memref_slice %arg3[%dma_wait3A_27, %mul3A_2] : memref<6x16384xf32, #tpu.memory_space<hbm>> -> memref<6x128xf32, #tpu.memory_space<hbm>>
    tpu.wait_dma2 semaphore(%arg14 : memref<!tpu.dma_semaphore, #tpu.memory_space<semaphore_mem>>) src(%dma_wait3A_28 : memref<6x128xf32, #tpu.memory_space<hbm>>) dst(%arg10 : memref<6x128xf32, #tpu.memory_space<vmem>>)
    %dma_wait3A_29 = arith.constant 0 : i32
    %dma_wait3A_30 = tpu.memref_slice %arg5[%dma_wait3A_29, %mul3A_2] : memref<6x16384xf32, #tpu.memory_space<hbm>> -> memref<6x128xf32, #tpu.memory_space<hbm>>
    %dma_wait3A_31 = arith.constant 0 : i32
    %dma_wait3A_32 = tpu.memref_slice %arg5[%dma_wait3A_31, %mul3A_2] : memref<6x16384xf32, #tpu.memory_space<hbm>> -> memref<6x128xf32, #tpu.memory_space<hbm>>
    tpu.wait_dma2 semaphore(%arg14 : memref<!tpu.dma_semaphore, #tpu.memory_space<semaphore_mem>>) src(%dma_wait3A_32 : memref<6x128xf32, #tpu.memory_space<hbm>>) dst(%arg12 : memref<6x128xf32, #tpu.memory_space<vmem>>)
    tpu.wait_dma2 semaphore(%arg14 : memref<!tpu.dma_semaphore, #tpu.memory_space<semaphore_mem>>) src(%arg6 : memref<44x16xf32, #tpu.memory_space<hbm>>) dst(%arg13 : memref<44x16xf32, #tpu.memory_space<vmem>>)
    %get3A = arith.constant 0 : i32
    %get3A_33 = arith.index_cast %get3A : i32 to index
    %get3A_34 = arith.constant 0 : index
    %get3A_35 = tpu.vector_load %arg13[%get3A_33, %get3A_34] {strides = array<i32>} : memref<44x16xf32, #tpu.memory_space<vmem>>, vector<1x16xf32>,
    %get3A_36 = vector.shape_cast %get3A_35 : vector<1x16xf32> to vector<16xf32>
    %get3A_37 = arith.constant 1 : i32
    %get3A_38 = arith.index_cast %get3A_37 : i32 to index
    %get3A_39 = arith.constant 0 : index
    %get3A_40 = tpu.vector_load %arg13[%get3A_38, %get3A_39] {strides = array<i32>} : memref<44x16xf32, #tpu.memory_space<vmem>>, vector<1x16xf32>,
    %get3A_41 = vector.shape_cast %get3A_40 : vector<1x16xf32> to vector<16xf32>
    %get3A_42 = arith.constant 2 : i32
    %get3A_43 = arith.index_cast %get3A_42 : i32 to index
    %get3A_44 = arith.constant 0 : index
    %get3A_45 = tpu.vector_load %arg13[%get3A_43, %get3A_44] {strides = array<i32>} : memref<44x16xf32, #tpu.memory_space<vmem>>, vector<1x16xf32>,
    %get3A_46 = vector.shape_cast %get3A_45 : vector<1x16xf32> to vector<16xf32>
    %get3A_47 = arith.constant 3 : i32
    %get3A_48 = arith.index_cast %get3A_47 : i32 to index
    %get3A_49 = arith.constant 0 : index
    %get3A_50 = tpu.vector_load %arg13[%get3A_48, %get3A_49] {strides = array<i32>} : memref<44x16xf32, #tpu.memory_space<vmem>>, vector<1x16xf32>,
    %get3A_51 = vector.shape_cast %get3A_50 : vector<1x16xf32> to vector<16xf32>
    %get3A_52 = arith.constant 4 : i32
    %get3A_53 = arith.index_cast %get3A_52 : i32 to index
    %get3A_54 = arith.constant 0 : index
    %get3A_55 = tpu.vector_load %arg13[%get3A_53, %get3A_54] {strides = array<i32>} : memref<44x16xf32, #tpu.memory_space<vmem>>, vector<1x16xf32>,
    %get3A_56 = vector.shape_cast %get3A_55 : vector<1x16xf32> to vector<16xf32>
    %get3A_57 = arith.constant 5 : i32
    %get3A_58 = arith.index_cast %get3A_57 : i32 to index
    %get3A_59 = arith.constant 0 : index
    %get3A_60 = tpu.vector_load %arg13[%get3A_58, %get3A_59] {strides = array<i32>} : memref<44x16xf32, #tpu.memory_space<vmem>>, vector<1x16xf32>,
    %get3A_61 = vector.shape_cast %get3A_60 : vector<1x16xf32> to vector<16xf32>
    %get3A_62 = arith.constant 6 : i32
    %get3A_63 = arith.index_cast %get3A_62 : i32 to index
    %get3A_64 = arith.constant 0 : index
    %get3A_65 = tpu.vector_load %arg13[%get3A_63, %get3A_64] {strides = array<i32>} : memref<44x16xf32, #tpu.memory_space<vmem>>, vector<1x16xf32>,
    %get3A_66 = vector.shape_cast %get3A_65 : vector<1x16xf32> to vector<16xf32>
    %get3A_67 = arith.constant 7 : i32
    %get3A_68 = arith.index_cast %get3A_67 : i32 to index
    %get3A_69 = arith.constant 0 : index
    %get3A_70 = tpu.vector_load %arg13[%get3A_68, %get3A_69] {strides = array<i32>} : memref<44x16xf32, #tpu.memory_space<vmem>>, vector<1x16xf32>,
    %get3A_71 = vector.shape_cast %get3A_70 : vector<1x16xf32> to vector<16xf32>
    %get3A_72 = arith.constant 8 : i32
    %get3A_73 = arith.index_cast %get3A_72 : i32 to index
    %get3A_74 = arith.constant 0 : index
    %get3A_75 = tpu.vector_load %arg13[%get3A_73, %get3A_74] {strides = array<i32>} : memref<44x16xf32, #tpu.memory_space<vmem>>, vector<1x16xf32>,
    %get3A_76 = vector.shape_cast %get3A_75 : vector<1x16xf32> to vector<16xf32>
    %get3A_77 = arith.constant 9 : i32
    %get3A_78 = arith.index_cast %get3A_77 : i32 to index
    %get3A_79 = arith.constant 0 : index
    %get3A_80 = tpu.vector_load %arg13[%get3A_78, %get3A_79] {strides = array<i32>} : memref<44x16xf32, #tpu.memory_space<vmem>>, vector<1x16xf32>,
    %get3A_81 = vector.shape_cast %get3A_80 : vector<1x16xf32> to vector<16xf32>
    %get3A_82 = arith.constant 10 : i32
    %get3A_83 = arith.index_cast %get3A_82 : i32 to index
    %get3A_84 = arith.constant 0 : index
    %get3A_85 = tpu.vector_load %arg13[%get3A_83, %get3A_84] {strides = array<i32>} : memref<44x16xf32, #tpu.memory_space<vmem>>, vector<1x16xf32>,
    %get3A_86 = vector.shape_cast %get3A_85 : vector<1x16xf32> to vector<16xf32>
    %get3A_87 = arith.constant 11 : i32
    %get3A_88 = arith.index_cast %get3A_87 : i32 to index
    %get3A_89 = arith.constant 0 : index
    %get3A_90 = tpu.vector_load %arg13[%get3A_88, %get3A_89] {strides = array<i32>} : memref<44x16xf32, #tpu.memory_space<vmem>>, vector<1x16xf32>,
    %get3A_91 = vector.shape_cast %get3A_90 : vector<1x16xf32> to vector<16xf32>
    %get3A_92 = arith.constant 12 : i32
    %get3A_93 = arith.index_cast %get3A_92 : i32 to index
    %get3A_94 = arith.constant 0 : index
    %get3A_95 = tpu.vector_load %arg13[%get3A_93, %get3A_94] {strides = array<i32>} : memref<44x16xf32, #tpu.memory_space<vmem>>, vector<1x16xf32>,
    %get3A_96 = vector.shape_cast %get3A_95 : vector<1x16xf32> to vector<16xf32>
    %get3A_97 = arith.constant 13 : i32
    %get3A_98 = arith.index_cast %get3A_97 : i32 to index
    %get3A_99 = arith.constant 0 : index
    %get3A_100 = tpu.vector_load %arg13[%get3A_98, %get3A_99] {strides = array<i32>} : memref<44x16xf32, #tpu.memory_space<vmem>>, vector<1x16xf32>,
    %get3A_101 = vector.shape_cast %get3A_100 : vector<1x16xf32> to vector<16xf32>
    %get3A_102 = arith.constant 14 : i32
    %get3A_103 = arith.index_cast %get3A_102 : i32 to index
    %get3A_104 = arith.constant 0 : index
    %get3A_105 = tpu.vector_load %arg13[%get3A_103, %get3A_104] {strides = array<i32>} : memref<44x16xf32, #tpu.memory_space<vmem>>, vector<1x16xf32>,
    %get3A_106 = vector.shape_cast %get3A_105 : vector<1x16xf32> to vector<16xf32>
    %get3A_107 = arith.constant 15 : i32
    %get3A_108 = arith.index_cast %get3A_107 : i32 to index
    %get3A_109 = arith.constant 0 : index
    %get3A_110 = tpu.vector_load %arg13[%get3A_108, %get3A_109] {strides = array<i32>} : memref<44x16xf32, #tpu.memory_space<vmem>>, vector<1x16xf32>,
    %get3A_111 = vector.shape_cast %get3A_110 : vector<1x16xf32> to vector<16xf32>
    %get3A_112 = arith.constant 16 : i32
    %get3A_113 = arith.index_cast %get3A_112 : i32 to index
    %get3A_114 = arith.constant 0 : index
    %get3A_115 = tpu.vector_load %arg13[%get3A_113, %get3A_114] {strides = array<i32>} : memref<44x16xf32, #tpu.memory_space<vmem>>, vector<1x16xf32>,
    %get3A_116 = vector.shape_cast %get3A_115 : vector<1x16xf32> to vector<16xf32>
    %get3A_117 = arith.constant 17 : i32
    %get3A_118 = arith.index_cast %get3A_117 : i32 to index
    %get3A_119 = arith.constant 0 : index
    %get3A_120 = tpu.vector_load %arg13[%get3A_118, %get3A_119] {strides = array<i32>} : memref<44x16xf32, #tpu.memory_space<vmem>>, vector<1x16xf32>,
    %get3A_121 = vector.shape_cast %get3A_120 : vector<1x16xf32> to vector<16xf32>
    %get3A_122 = arith.constant 18 : i32
    %get3A_123 = arith.index_cast %get3A_122 : i32 to index
    %get3A_124 = arith.constant 0 : index
    %get3A_125 = tpu.vector_load %arg13[%get3A_123, %get3A_124] {strides = array<i32>} : memref<44x16xf32, #tpu.memory_space<vmem>>, vector<1x16xf32>,
    %get3A_126 = vector.shape_cast %get3A_125 : vector<1x16xf32> to vector<16xf32>
    %get3A_127 = arith.constant 19 : i32
    %get3A_128 = arith.index_cast %get3A_127 : i32 to index
    %get3A_129 = arith.constant 0 : index
    %get3A_130 = tpu.vector_load %arg13[%get3A_128, %get3A_129] {strides = array<i32>} : memref<44x16xf32, #tpu.memory_space<vmem>>, vector<1x16xf32>,
    %get3A_131 = vector.shape_cast %get3A_130 : vector<1x16xf32> to vector<16xf32>
    %get3A_132 = arith.constant 20 : i32
    %get3A_133 = arith.index_cast %get3A_132 : i32 to index
    %get3A_134 = arith.constant 0 : index
    %get3A_135 = tpu.vector_load %arg13[%get3A_133, %get3A_134] {strides = array<i32>} : memref<44x16xf32, #tpu.memory_space<vmem>>, vector<1x16xf32>,
    %get3A_136 = vector.shape_cast %get3A_135 : vector<1x16xf32> to vector<16xf32>
    %get3A_137 = arith.constant 21 : i32
    %get3A_138 = arith.index_cast %get3A_137 : i32 to index
    %get3A_139 = arith.constant 0 : index
    %get3A_140 = tpu.vector_load %arg13[%get3A_138, %get3A_139] {strides = array<i32>} : memref<44x16xf32, #tpu.memory_space<vmem>>, vector<1x16xf32>,
    %get3A_141 = vector.shape_cast %get3A_140 : vector<1x16xf32> to vector<16xf32>
    %get3A_142 = arith.constant 22 : i32
    %get3A_143 = arith.index_cast %get3A_142 : i32 to index
    %get3A_144 = arith.constant 0 : index
    %get3A_145 = tpu.vector_load %arg13[%get3A_143, %get3A_144] {strides = array<i32>} : memref<44x16xf32, #tpu.memory_space<vmem>>, vector<1x16xf32>,
    %get3A_146 = vector.shape_cast %get3A_145 : vector<1x16xf32> to vector<16xf32>
    %get3A_147 = arith.constant 23 : i32
    %get3A_148 = arith.index_cast %get3A_147 : i32 to index
    %get3A_149 = arith.constant 0 : index
    %get3A_150 = tpu.vector_load %arg13[%get3A_148, %get3A_149] {strides = array<i32>} : memref<44x16xf32, #tpu.memory_space<vmem>>, vector<1x16xf32>,
    %get3A_151 = vector.shape_cast %get3A_150 : vector<1x16xf32> to vector<16xf32>
    %get3A_152 = arith.constant 24 : i32
    %get3A_153 = arith.index_cast %get3A_152 : i32 to index
    %get3A_154 = arith.constant 0 : index
    %get3A_155 = tpu.vector_load %arg13[%get3A_153, %get3A_154] {strides = array<i32>} : memref<44x16xf32, #tpu.memory_space<vmem>>, vector<1x16xf32>,
    %get3A_156 = vector.shape_cast %get3A_155 : vector<1x16xf32> to vector<16xf32>
    %get3A_157 = arith.constant 25 : i32
    %get3A_158 = arith.index_cast %get3A_157 : i32 to index
    %get3A_159 = arith.constant 0 : index
    %get3A_160 = tpu.vector_load %arg13[%get3A_158, %get3A_159] {strides = array<i32>} : memref<44x16xf32, #tpu.memory_space<vmem>>, vector<1x16xf32>,
    %get3A_161 = vector.shape_cast %get3A_160 : vector<1x16xf32> to vector<16xf32>
    %get3A_162 = arith.constant 26 : i32
    %get3A_163 = arith.index_cast %get3A_162 : i32 to index
    %get3A_164 = arith.constant 0 : index
    %get3A_165 = tpu.vector_load %arg13[%get3A_163, %get3A_164] {strides = array<i32>} : memref<44x16xf32, #tpu.memory_space<vmem>>, vector<1x16xf32>,
    %get3A_166 = vector.shape_cast %get3A_165 : vector<1x16xf32> to vector<16xf32>
    %get3A_167 = arith.constant 27 : i32
    %get3A_168 = arith.index_cast %get3A_167 : i32 to index
    %get3A_169 = arith.constant 0 : index
    %get3A_170 = tpu.vector_load %arg13[%get3A_168, %get3A_169] {strides = array<i32>} : memref<44x16xf32, #tpu.memory_space<vmem>>, vector<1x16xf32>,
    %get3A_171 = vector.shape_cast %get3A_170 : vector<1x16xf32> to vector<16xf32>
    %get3A_172 = arith.constant 28 : i32
    %get3A_173 = arith.index_cast %get3A_172 : i32 to index
    %get3A_174 = arith.constant 0 : index
    %get3A_175 = tpu.vector_load %arg13[%get3A_173, %get3A_174] {strides = array<i32>} : memref<44x16xf32, #tpu.memory_space<vmem>>, vector<1x16xf32>,
    %get3A_176 = vector.shape_cast %get3A_175 : vector<1x16xf32> to vector<16xf32>
    %get3A_177 = arith.constant 29 : i32
    %get3A_178 = arith.index_cast %get3A_177 : i32 to index
    %get3A_179 = arith.constant 0 : index
    %get3A_180 = tpu.vector_load %arg13[%get3A_178, %get3A_179] {strides = array<i32>} : memref<44x16xf32, #tpu.memory_space<vmem>>, vector<1x16xf32>,
    %get3A_181 = vector.shape_cast %get3A_180 : vector<1x16xf32> to vector<16xf32>
    %get3A_182 = arith.constant 30 : i32
    %get3A_183 = arith.index_cast %get3A_182 : i32 to index
    %get3A_184 = arith.constant 0 : index
    %get3A_185 = tpu.vector_load %arg13[%get3A_183, %get3A_184] {strides = array<i32>} : memref<44x16xf32, #tpu.memory_space<vmem>>, vector<1x16xf32>,
    %get3A_186 = vector.shape_cast %get3A_185 : vector<1x16xf32> to vector<16xf32>
    %get3A_187 = arith.constant 31 : i32
    %get3A_188 = arith.index_cast %get3A_187 : i32 to index
    %get3A_189 = arith.constant 0 : index
    %get3A_190 = tpu.vector_load %arg13[%get3A_188, %get3A_189] {strides = array<i32>} : memref<44x16xf32, #tpu.memory_space<vmem>>, vector<1x16xf32>,
    %get3A_191 = vector.shape_cast %get3A_190 : vector<1x16xf32> to vector<16xf32>
    %get3A_192 = arith.constant 32 : i32
    %get3A_193 = arith.index_cast %get3A_192 : i32 to index
    %get3A_194 = arith.constant 0 : index
    %get3A_195 = tpu.vector_load %arg13[%get3A_193, %get3A_194] {strides = array<i32>} : memref<44x16xf32, #tpu.memory_space<vmem>>, vector<1x16xf32>,
    %get3A_196 = vector.shape_cast %get3A_195 : vector<1x16xf32> to vector<16xf32>
    %get3A_197 = arith.constant 33 : i32
    %get3A_198 = arith.index_cast %get3A_197 : i32 to index
    %get3A_199 = arith.constant 0 : index
    %get3A_200 = tpu.vector_load %arg13[%get3A_198, %get3A_199] {strides = array<i32>} : memref<44x16xf32, #tpu.memory_space<vmem>>, vector<1x16xf32>,
    %get3A_201 = vector.shape_cast %get3A_200 : vector<1x16xf32> to vector<16xf32>
    %get3A_202 = arith.constant 34 : i32
    %get3A_203 = arith.index_cast %get3A_202 : i32 to index
    %get3A_204 = arith.constant 0 : index
    %get3A_205 = tpu.vector_load %arg13[%get3A_203, %get3A_204] {strides = array<i32>} : memref<44x16xf32, #tpu.memory_space<vmem>>, vector<1x16xf32>,
    %get3A_206 = vector.shape_cast %get3A_205 : vector<1x16xf32> to vector<16xf32>
    %get3A_207 = arith.constant 35 : i32
    %get3A_208 = arith.index_cast %get3A_207 : i32 to index
    %get3A_209 = arith.constant 0 : index
    %get3A_210 = tpu.vector_load %arg13[%get3A_208, %get3A_209] {strides = array<i32>} : memref<44x16xf32, #tpu.memory_space<vmem>>, vector<1x16xf32>,
    %get3A_211 = vector.shape_cast %get3A_210 : vector<1x16xf32> to vector<16xf32>
    %get3A_212 = arith.constant 36 : i32
    %get3A_213 = arith.index_cast %get3A_212 : i32 to index
    %get3A_214 = arith.constant 0 : index
    %get3A_215 = tpu.vector_load %arg13[%get3A_213, %get3A_214] {strides = array<i32>} : memref<44x16xf32, #tpu.memory_space<vmem>>, vector<1x16xf32>,
    %get3A_216 = vector.shape_cast %get3A_215 : vector<1x16xf32> to vector<16xf32>
    %get3A_217 = arith.constant 37 : i32
    %get3A_218 = arith.index_cast %get3A_217 : i32 to index
    %get3A_219 = arith.constant 0 : index
    %get3A_220 = tpu.vector_load %arg13[%get3A_218, %get3A_219] {strides = array<i32>} : memref<44x16xf32, #tpu.memory_space<vmem>>, vector<1x16xf32>,
    %get3A_221 = vector.shape_cast %get3A_220 : vector<1x16xf32> to vector<16xf32>
    %get3A_222 = arith.constant 38 : i32
    %get3A_223 = arith.index_cast %get3A_222 : i32 to index
    %get3A_224 = arith.constant 0 : index
    %get3A_225 = tpu.vector_load %arg13[%get3A_223, %get3A_224] {strides = array<i32>} : memref<44x16xf32, #tpu.memory_space<vmem>>, vector<1x16xf32>,
    %get3A_226 = vector.shape_cast %get3A_225 : vector<1x16xf32> to vector<16xf32>
    %get3A_227 = arith.constant 39 : i32
    %get3A_228 = arith.index_cast %get3A_227 : i32 to index
    %get3A_229 = arith.constant 0 : index
    %get3A_230 = tpu.vector_load %arg13[%get3A_228, %get3A_229] {strides = array<i32>} : memref<44x16xf32, #tpu.memory_space<vmem>>, vector<1x16xf32>,
    %get3A_231 = vector.shape_cast %get3A_230 : vector<1x16xf32> to vector<16xf32>
    %get3A_232 = arith.constant 40 : i32
    %get3A_233 = arith.index_cast %get3A_232 : i32 to index
    %get3A_234 = arith.constant 0 : index
    %get3A_235 = tpu.vector_load %arg13[%get3A_233, %get3A_234] {strides = array<i32>} : memref<44x16xf32, #tpu.memory_space<vmem>>, vector<1x16xf32>,
    %get3A_236 = vector.shape_cast %get3A_235 : vector<1x16xf32> to vector<16xf32>
    %get3A_237 = arith.constant 41 : i32
    %get3A_238 = arith.index_cast %get3A_237 : i32 to index
    %get3A_239 = arith.constant 0 : index
    %get3A_240 = tpu.vector_load %arg13[%get3A_238, %get3A_239] {strides = array<i32>} : memref<44x16xf32, #tpu.memory_space<vmem>>, vector<1x16xf32>,
    %get3A_241 = vector.shape_cast %get3A_240 : vector<1x16xf32> to vector<16xf32>
    %get3A_242 = arith.constant 42 : i32
    %get3A_243 = arith.index_cast %get3A_242 : i32 to index
    %get3A_244 = arith.constant 0 : index
    %get3A_245 = tpu.vector_load %arg13[%get3A_243, %get3A_244] {strides = array<i32>} : memref<44x16xf32, #tpu.memory_space<vmem>>, vector<1x16xf32>,
    %get3A_246 = vector.shape_cast %get3A_245 : vector<1x16xf32> to vector<16xf32>
    %get3A_247 = arith.constant 43 : i32
    %get3A_248 = arith.index_cast %get3A_247 : i32 to index
    %get3A_249 = arith.constant 0 : index
    %get3A_250 = tpu.vector_load %arg13[%get3A_248, %get3A_249] {strides = array<i32>} : memref<44x16xf32, #tpu.memory_space<vmem>>, vector<1x16xf32>,
    %get3A_251 = vector.shape_cast %get3A_250 : vector<1x16xf32> to vector<16xf32>
    %scan3A = arith.constant 0 : i32
    %scan3A_252 = arith.constant 0 : i32
    %scan3A_253 = arith.constant 8 : i32
    %scan3A_254 = arith.addi %scan3A_252, %scan3A_253 : i32
    %scan3A_255 = arith.constant 1 : i32
    scf.for %scan3A_273 = %scan3A_252 to %scan3A_254 step %scan3A_255  : i32 {
      %mul3A_274 = arith.constant 16 : i32
      %mul3A_275 = arith.muli %scan3A_273, %mul3A_274 : i32
      %get3A_276 = arith.constant 0 : i32
      %get3A_277 = arith.index_cast %get3A_276 : i32 to index
      %get3A_278 = arith.index_cast %mul3A_275 : i32 to index
      %get3A_279 = tpu.vector_load %arg11[%get3A_277, %get3A_278] {strides = array<i32>} : memref<9x128xf32, #tpu.memory_space<vmem>>, vector<1x16xf32>,
      %get3A_280 = vector.shape_cast %get3A_279 : vector<1x16xf32> to vector<16xf32>
      %get3A_281 = arith.constant 1 : i32
      %get3A_282 = arith.index_cast %get3A_281 : i32 to index
      %get3A_283 = arith.index_cast %mul3A_275 : i32 to index
      %get3A_284 = tpu.vector_load %arg11[%get3A_282, %get3A_283] {strides = array<i32>} : memref<9x128xf32, #tpu.memory_space<vmem>>, vector<1x16xf32>,
      %get3A_285 = vector.shape_cast %get3A_284 : vector<1x16xf32> to vector<16xf32>
      %get3A_286 = arith.constant 2 : i32
      %get3A_287 = arith.index_cast %get3A_286 : i32 to index
      %get3A_288 = arith.index_cast %mul3A_275 : i32 to index
      %get3A_289 = tpu.vector_load %arg11[%get3A_287, %get3A_288] {strides = array<i32>} : memref<9x128xf32, #tpu.memory_space<vmem>>, vector<1x16xf32>,
      %get3A_290 = vector.shape_cast %get3A_289 : vector<1x16xf32> to vector<16xf32>
      %get3A_291 = arith.constant 3 : i32
      %get3A_292 = arith.index_cast %get3A_291 : i32 to index
      %get3A_293 = arith.index_cast %mul3A_275 : i32 to index
      %get3A_294 = tpu.vector_load %arg11[%get3A_292, %get3A_293] {strides = array<i32>} : memref<9x128xf32, #tpu.memory_space<vmem>>, vector<1x16xf32>,
      %get3A_295 = vector.shape_cast %get3A_294 : vector<1x16xf32> to vector<16xf32>
      %get3A_296 = arith.constant 4 : i32
      %get3A_297 = arith.index_cast %get3A_296 : i32 to index
      %get3A_298 = arith.index_cast %mul3A_275 : i32 to index
      %get3A_299 = tpu.vector_load %arg11[%get3A_297, %get3A_298] {strides = array<i32>} : memref<9x128xf32, #tpu.memory_space<vmem>>, vector<1x16xf32>,
      %get3A_300 = vector.shape_cast %get3A_299 : vector<1x16xf32> to vector<16xf32>
      %get3A_301 = arith.constant 5 : i32
      %get3A_302 = arith.index_cast %get3A_301 : i32 to index
      %get3A_303 = arith.index_cast %mul3A_275 : i32 to index
      %get3A_304 = tpu.vector_load %arg11[%get3A_302, %get3A_303] {strides = array<i32>} : memref<9x128xf32, #tpu.memory_space<vmem>>, vector<1x16xf32>,
      %get3A_305 = vector.shape_cast %get3A_304 : vector<1x16xf32> to vector<16xf32>
      %get3A_306 = arith.constant 6 : i32
      %get3A_307 = arith.index_cast %get3A_306 : i32 to index
      %get3A_308 = arith.index_cast %mul3A_275 : i32 to index
      %get3A_309 = tpu.vector_load %arg11[%get3A_307, %get3A_308] {strides = array<i32>} : memref<9x128xf32, #tpu.memory_space<vmem>>, vector<1x16xf32>,
      %get3A_310 = vector.shape_cast %get3A_309 : vector<1x16xf32> to vector<16xf32>
      %get3A_311 = arith.constant 7 : i32
      %get3A_312 = arith.index_cast %get3A_311 : i32 to index
      %get3A_313 = arith.index_cast %mul3A_275 : i32 to index
      %get3A_314 = tpu.vector_load %arg11[%get3A_312, %get3A_313] {strides = array<i32>} : memref<9x128xf32, #tpu.memory_space<vmem>>, vector<1x16xf32>,
      %get3A_315 = vector.shape_cast %get3A_314 : vector<1x16xf32> to vector<16xf32>
      %get3A_316 = arith.constant 8 : i32
      %get3A_317 = arith.index_cast %get3A_316 : i32 to index
      %get3A_318 = arith.index_cast %mul3A_275 : i32 to index
      %get3A_319 = tpu.vector_load %arg11[%get3A_317, %get3A_318] {strides = array<i32>} : memref<9x128xf32, #tpu.memory_space<vmem>>, vector<1x16xf32>,
      %get3A_320 = vector.shape_cast %get3A_319 : vector<1x16xf32> to vector<16xf32>
      %get3A_321 = arith.constant 0 : i32
      %get3A_322 = arith.index_cast %get3A_321 : i32 to index
      %get3A_323 = arith.index_cast %mul3A_275 : i32 to index
      %get3A_324 = tpu.vector_load %arg9[%get3A_322, %get3A_323] {strides = array<i32>} : memref<9x128xf32, #tpu.memory_space<vmem>>, vector<1x16xf32>,
      %get3A_325 = vector.shape_cast %get3A_324 : vector<1x16xf32> to vector<16xf32>
      %get3A_326 = arith.constant 1 : i32
      %get3A_327 = arith.index_cast %get3A_326 : i32 to index
      %get3A_328 = arith.index_cast %mul3A_275 : i32 to index
      %get3A_329 = tpu.vector_load %arg9[%get3A_327, %get3A_328] {strides = array<i32>} : memref<9x128xf32, #tpu.memory_space<vmem>>, vector<1x16xf32>,
      %get3A_330 = vector.shape_cast %get3A_329 : vector<1x16xf32> to vector<16xf32>
      %get3A_331 = arith.constant 2 : i32
      %get3A_332 = arith.index_cast %get3A_331 : i32 to index
      %get3A_333 = arith.index_cast %mul3A_275 : i32 to index
      %get3A_334 = tpu.vector_load %arg9[%get3A_332, %get3A_333] {strides = array<i32>} : memref<9x128xf32, #tpu.memory_space<vmem>>, vector<1x16xf32>,
      %get3A_335 = vector.shape_cast %get3A_334 : vector<1x16xf32> to vector<16xf32>
      %get3A_336 = arith.constant 6 : i32
      %get3A_337 = arith.index_cast %get3A_336 : i32 to index
      %get3A_338 = arith.index_cast %mul3A_275 : i32 to index
      %get3A_339 = tpu.vector_load %arg9[%get3A_337, %get3A_338] {strides = array<i32>} : memref<9x128xf32, #tpu.memory_space<vmem>>, vector<1x16xf32>,
      %get3A_340 = vector.shape_cast %get3A_339 : vector<1x16xf32> to vector<16xf32>
      %mul3A_341 = arith.mulf %get3A_325, %get3A_280 : vector<16xf32>
      %sub3A = arith.constant 1.000000e+00 : f32
      %sub3A_342 = vector.broadcast %sub3A : f32 to vector<16xf32>
      %sub3A_343 = arith.subf %sub3A_342, %get3A_280 : vector<16xf32>
      %mul3A_344 = arith.mulf %sub3A_343, %get3A_36 : vector<16xf32>
      %add3A_345 = arith.addf %mul3A_341, %mul3A_344 : vector<16xf32>
      %mul3A_346 = arith.mulf %get3A_330, %get3A_285 : vector<16xf32>
      %sub3A_347 = arith.constant 1.000000e+00 : f32
      %sub3A_348 = vector.broadcast %sub3A_347 : f32 to vector<16xf32>
      %sub3A_349 = arith.subf %sub3A_348, %get3A_285 : vector<16xf32>
      %mul3A_350 = arith.mulf %sub3A_349, %get3A_41 : vector<16xf32>
      %add3A_351 = arith.addf %mul3A_346, %mul3A_350 : vector<16xf32>
      %mul3A_352 = arith.mulf %get3A_335, %get3A_290 : vector<16xf32>
      %sub3A_353 = arith.constant 1.000000e+00 : f32
      %sub3A_354 = vector.broadcast %sub3A_353 : f32 to vector<16xf32>
      %sub3A_355 = arith.subf %sub3A_354, %get3A_290 : vector<16xf32>
      %mul3A_356 = arith.mulf %sub3A_355, %get3A_46 : vector<16xf32>
      %add3A_357 = arith.addf %mul3A_352, %mul3A_356 : vector<16xf32>
      %mul3A_358 = arith.mulf %get3A_340, %get3A_310 : vector<16xf32>
      %sub3A_359 = arith.constant 1.000000e+00 : f32
      %sub3A_360 = vector.broadcast %sub3A_359 : f32 to vector<16xf32>
      %sub3A_361 = arith.subf %sub3A_360, %get3A_310 : vector<16xf32>
      %mul3A_362 = arith.mulf %sub3A_361, %get3A_66 : vector<16xf32>
      %add3A_363 = arith.addf %mul3A_358, %mul3A_362 : vector<16xf32>
      %gt3A = arith.constant 5.000000e-01 : f32
      %gt3A_364 = vector.broadcast %gt3A : f32 to vector<16xf32>
      %gt3A_365 = arith.cmpf ogt, %get3A_280, %gt3A_364 : vector<16xf32>
      %gt3A_366 = arith.constant 5.000000e-01 : f32
      %gt3A_367 = vector.broadcast %gt3A_366 : f32 to vector<16xf32>
      %gt3A_368 = arith.cmpf ogt, %add3A_345, %gt3A_367 : vector<16xf32>
      %gt3A_369 = arith.constant 5.000000e-01 : f32
      %gt3A_370 = vector.broadcast %gt3A_369 : f32 to vector<16xf32>
      %gt3A_371 = arith.cmpf ogt, %get3A_285, %gt3A_370 : vector<16xf32>
      %gt3A_372 = arith.constant 5.000000e-01 : f32
      %gt3A_373 = vector.broadcast %gt3A_372 : f32 to vector<16xf32>
      %gt3A_374 = arith.cmpf ogt, %add3A_351, %gt3A_373 : vector<16xf32>
      %gt3A_375 = arith.constant 5.000000e-01 : f32
      %gt3A_376 = vector.broadcast %gt3A_375 : f32 to vector<16xf32>
      %gt3A_377 = arith.cmpf ogt, %get3A_290, %gt3A_376 : vector<16xf32>
      %gt3A_378 = arith.constant 5.000000e-01 : f32
      %gt3A_379 = vector.broadcast %gt3A_378 : f32 to vector<16xf32>
      %gt3A_380 = arith.cmpf ogt, %add3A_357, %gt3A_379 : vector<16xf32>
      %gt3A_381 = arith.constant 5.000000e-01 : f32
      %gt3A_382 = vector.broadcast %gt3A_381 : f32 to vector<16xf32>
      %gt3A_383 = arith.cmpf ogt, %get3A_310, %gt3A_382 : vector<16xf32>
      %gt3A_384 = arith.constant 5.000000e-01 : f32
      %gt3A_385 = vector.broadcast %gt3A_384 : f32 to vector<16xf32>
      %gt3A_386 = arith.cmpf ogt, %add3A_363, %gt3A_385 : vector<16xf32>
      %swap3A = arith.constant 0 : i32
      %swap3A_387 = arith.index_cast %swap3A : i32 to index
      %swap3A_388 = arith.index_cast %mul3A_275 : i32 to index
      %swap3A_389 = tpu.vector_load %arg9[%swap3A_387, %swap3A_388] {strides = array<i32>} : memref<9x128xf32, #tpu.memory_space<vmem>>, vector<1x16xf32>,
      %swap3A_390 = vector.shape_cast %swap3A_389 : vector<1x16xf32> to vector<16xf32>
      %swap3A_391 = vector.shape_cast %add3A_345 : vector<16xf32> to vector<1x16xf32>
      tpu.vector_store %arg9[%swap3A_387, %swap3A_388], %swap3A_391 {strides = array<i32>} : memref<9x128xf32, #tpu.memory_space<vmem>>, vector<1x16xf32>,
      %swap3A_392 = arith.constant 1 : i32
      %swap3A_393 = arith.index_cast %swap3A_392 : i32 to index
      %swap3A_394 = arith.index_cast %mul3A_275 : i32 to index
      %swap3A_395 = tpu.vector_load %arg9[%swap3A_393, %swap3A_394] {strides = array<i32>} : memref<9x128xf32, #tpu.memory_space<vmem>>, vector<1x16xf32>,
      %swap3A_396 = vector.shape_cast %swap3A_395 : vector<1x16xf32> to vector<16xf32>
      %swap3A_397 = vector.shape_cast %add3A_351 : vector<16xf32> to vector<1x16xf32>
      tpu.vector_store %arg9[%swap3A_393, %swap3A_394], %swap3A_397 {strides = array<i32>} : memref<9x128xf32, #tpu.memory_space<vmem>>, vector<1x16xf32>,
      %swap3A_398 = arith.constant 2 : i32
      %swap3A_399 = arith.index_cast %swap3A_398 : i32 to index
      %swap3A_400 = arith.index_cast %mul3A_275 : i32 to index
      %swap3A_401 = tpu.vector_load %arg9[%swap3A_399, %swap3A_400] {strides = array<i32>} : memref<9x128xf32, #tpu.memory_space<vmem>>, vector<1x16xf32>,
      %swap3A_402 = vector.shape_cast %swap3A_401 : vector<1x16xf32> to vector<16xf32>
      %swap3A_403 = vector.shape_cast %add3A_357 : vector<16xf32> to vector<1x16xf32>
      tpu.vector_store %arg9[%swap3A_399, %swap3A_400], %swap3A_403 {strides = array<i32>} : memref<9x128xf32, #tpu.memory_space<vmem>>, vector<1x16xf32>,
      %swap3A_404 = arith.constant 6 : i32
      %swap3A_405 = arith.index_cast %swap3A_404 : i32 to index
      %swap3A_406 = arith.index_cast %mul3A_275 : i32 to index
      %swap3A_407 = tpu.vector_load %arg9[%swap3A_405, %swap3A_406] {strides = array<i32>} : memref<9x128xf32, #tpu.memory_space<vmem>>, vector<1x16xf32>,
      %swap3A_408 = vector.shape_cast %swap3A_407 : vector<1x16xf32> to vector<16xf32>
      %swap3A_409 = vector.shape_cast %add3A_363 : vector<16xf32> to vector<1x16xf32>
      tpu.vector_store %arg9[%swap3A_405, %swap3A_406], %swap3A_409 {strides = array<i32>} : memref<9x128xf32, #tpu.memory_space<vmem>>, vector<1x16xf32>,
      %get3A_410 = arith.constant 3 : i32
      %get3A_411 = arith.index_cast %get3A_410 : i32 to index
      %get3A_412 = arith.index_cast %mul3A_275 : i32 to index
      %get3A_413 = tpu.vector_load %arg9[%get3A_411, %get3A_412] {strides = array<i32>} : memref<9x128xf32, #tpu.memory_space<vmem>>, vector<1x16xf32>,
      %get3A_414 = vector.shape_cast %get3A_413 : vector<1x16xf32> to vector<16xf32>
      %mul3A_415 = arith.mulf %get3A_414, %get3A_295 : vector<16xf32>
      %sub3A_416 = arith.constant 1.000000e+00 : f32
      %sub3A_417 = vector.broadcast %sub3A_416 : f32 to vector<16xf32>
      %sub3A_418 = arith.subf %sub3A_417, %get3A_295 : vector<16xf32>
      %mul3A_419 = arith.mulf %sub3A_418, %get3A_51 : vector<16xf32>
      %add3A_420 = arith.addf %mul3A_415, %mul3A_419 : vector<16xf32>
      %select_n3A = arith.select %gt3A_380, %get3A_146, %get3A_161 : vector<16xi1>, vector<16xf32>
      %select_n3A_421 = arith.select %gt3A_377, %select_n3A, %get3A_131 : vector<16xi1>, vector<16xf32>
      %mul3A_422 = arith.mulf %add3A_420, %get3A_295 : vector<16xf32>
      %sub3A_423 = arith.constant 1.000000e+00 : f32
      %sub3A_424 = vector.broadcast %sub3A_423 : f32 to vector<16xf32>
      %sub3A_425 = arith.subf %sub3A_424, %get3A_295 : vector<16xf32>
      %mul3A_426 = arith.mulf %sub3A_425, %select_n3A_421 : vector<16xf32>
      %add3A_427 = arith.addf %mul3A_422, %mul3A_426 : vector<16xf32>
      %swap3A_428 = arith.constant 3 : i32
      %swap3A_429 = arith.index_cast %swap3A_428 : i32 to index
      %swap3A_430 = arith.index_cast %mul3A_275 : i32 to index
      %swap3A_431 = tpu.vector_load %arg9[%swap3A_429, %swap3A_430] {strides = array<i32>} : memref<9x128xf32, #tpu.memory_space<vmem>>, vector<1x16xf32>,
      %swap3A_432 = vector.shape_cast %swap3A_431 : vector<1x16xf32> to vector<16xf32>
      %swap3A_433 = vector.shape_cast %add3A_427 : vector<16xf32> to vector<1x16xf32>
      tpu.vector_store %arg9[%swap3A_429, %swap3A_430], %swap3A_433 {strides = array<i32>} : memref<9x128xf32, #tpu.memory_space<vmem>>, vector<1x16xf32>,
      %get3A_434 = arith.constant 4 : i32
      %get3A_435 = arith.index_cast %get3A_434 : i32 to index
      %get3A_436 = arith.index_cast %mul3A_275 : i32 to index
      %get3A_437 = tpu.vector_load %arg9[%get3A_435, %get3A_436] {strides = array<i32>} : memref<9x128xf32, #tpu.memory_space<vmem>>, vector<1x16xf32>,
      %get3A_438 = vector.shape_cast %get3A_437 : vector<1x16xf32> to vector<16xf32>
      %mul3A_439 = arith.mulf %get3A_438, %get3A_300 : vector<16xf32>
      %sub3A_440 = arith.constant 1.000000e+00 : f32
      %sub3A_441 = vector.broadcast %sub3A_440 : f32 to vector<16xf32>
      %sub3A_442 = arith.subf %sub3A_441, %get3A_300 : vector<16xf32>
      %mul3A_443 = arith.mulf %sub3A_442, %get3A_56 : vector<16xf32>
      %add3A_444 = arith.addf %mul3A_439, %mul3A_443 : vector<16xf32>
      %select_n3A_445 = arith.select %gt3A_380, %get3A_151, %get3A_166 : vector<16xi1>, vector<16xf32>
      %select_n3A_446 = arith.select %gt3A_377, %select_n3A_445, %get3A_136 : vector<16xi1>, vector<16xf32>
      %mul3A_447 = arith.mulf %add3A_444, %get3A_300 : vector<16xf32>
      %sub3A_448 = arith.constant 1.000000e+00 : f32
      %sub3A_449 = vector.broadcast %sub3A_448 : f32 to vector<16xf32>
      %sub3A_450 = arith.subf %sub3A_449, %get3A_300 : vector<16xf32>
      %mul3A_451 = arith.mulf %sub3A_450, %select_n3A_446 : vector<16xf32>
      %add3A_452 = arith.addf %mul3A_447, %mul3A_451 : vector<16xf32>
      %swap3A_453 = arith.constant 4 : i32
      %swap3A_454 = arith.index_cast %swap3A_453 : i32 to index
      %swap3A_455 = arith.index_cast %mul3A_275 : i32 to index
      %swap3A_456 = tpu.vector_load %arg9[%swap3A_454, %swap3A_455] {strides = array<i32>} : memref<9x128xf32, #tpu.memory_space<vmem>>, vector<1x16xf32>,
      %swap3A_457 = vector.shape_cast %swap3A_456 : vector<1x16xf32> to vector<16xf32>
      %swap3A_458 = vector.shape_cast %add3A_452 : vector<16xf32> to vector<1x16xf32>
      tpu.vector_store %arg9[%swap3A_454, %swap3A_455], %swap3A_458 {strides = array<i32>} : memref<9x128xf32, #tpu.memory_space<vmem>>, vector<1x16xf32>,
      %get3A_459 = arith.constant 5 : i32
      %get3A_460 = arith.index_cast %get3A_459 : i32 to index
      %get3A_461 = arith.index_cast %mul3A_275 : i32 to index
      %get3A_462 = tpu.vector_load %arg9[%get3A_460, %get3A_461] {strides = array<i32>} : memref<9x128xf32, #tpu.memory_space<vmem>>, vector<1x16xf32>,
      %get3A_463 = vector.shape_cast %get3A_462 : vector<1x16xf32> to vector<16xf32>
      %mul3A_464 = arith.mulf %get3A_463, %get3A_305 : vector<16xf32>
      %sub3A_465 = arith.constant 1.000000e+00 : f32
      %sub3A_466 = vector.broadcast %sub3A_465 : f32 to vector<16xf32>
      %sub3A_467 = arith.subf %sub3A_466, %get3A_305 : vector<16xf32>
      %mul3A_468 = arith.mulf %sub3A_467, %get3A_61 : vector<16xf32>
      %add3A_469 = arith.addf %mul3A_464, %mul3A_468 : vector<16xf32>
      %select_n3A_470 = arith.select %gt3A_380, %get3A_156, %get3A_171 : vector<16xi1>, vector<16xf32>
      %select_n3A_471 = arith.select %gt3A_377, %select_n3A_470, %get3A_141 : vector<16xi1>, vector<16xf32>
      %mul3A_472 = arith.mulf %add3A_469, %get3A_305 : vector<16xf32>
      %sub3A_473 = arith.constant 1.000000e+00 : f32
      %sub3A_474 = vector.broadcast %sub3A_473 : f32 to vector<16xf32>
      %sub3A_475 = arith.subf %sub3A_474, %get3A_305 : vector<16xf32>
      %mul3A_476 = arith.mulf %sub3A_475, %select_n3A_471 : vector<16xf32>
      %add3A_477 = arith.addf %mul3A_472, %mul3A_476 : vector<16xf32>
      %swap3A_478 = arith.constant 5 : i32
      %swap3A_479 = arith.index_cast %swap3A_478 : i32 to index
      %swap3A_480 = arith.index_cast %mul3A_275 : i32 to index
      %swap3A_481 = tpu.vector_load %arg9[%swap3A_479, %swap3A_480] {strides = array<i32>} : memref<9x128xf32, #tpu.memory_space<vmem>>, vector<1x16xf32>,
      %swap3A_482 = vector.shape_cast %swap3A_481 : vector<1x16xf32> to vector<16xf32>
      %swap3A_483 = vector.shape_cast %add3A_477 : vector<16xf32> to vector<1x16xf32>
      tpu.vector_store %arg9[%swap3A_479, %swap3A_480], %swap3A_483 {strides = array<i32>} : memref<9x128xf32, #tpu.memory_space<vmem>>, vector<1x16xf32>,
      %get3A_484 = arith.constant 7 : i32
      %get3A_485 = arith.index_cast %get3A_484 : i32 to index
      %get3A_486 = arith.index_cast %mul3A_275 : i32 to index
      %get3A_487 = tpu.vector_load %arg9[%get3A_485, %get3A_486] {strides = array<i32>} : memref<9x128xf32, #tpu.memory_space<vmem>>, vector<1x16xf32>,
      %get3A_488 = vector.shape_cast %get3A_487 : vector<1x16xf32> to vector<16xf32>
      %mul3A_489 = arith.mulf %get3A_488, %get3A_315 : vector<16xf32>
      %sub3A_490 = arith.constant 1.000000e+00 : f32
      %sub3A_491 = vector.broadcast %sub3A_490 : f32 to vector<16xf32>
      %sub3A_492 = arith.subf %sub3A_491, %get3A_315 : vector<16xf32>
      %mul3A_493 = arith.mulf %sub3A_492, %get3A_71 : vector<16xf32>
      %add3A_494 = arith.addf %mul3A_489, %mul3A_493 : vector<16xf32>
      %select_n3A_495 = arith.select %gt3A_386, %get3A_206, %get3A_216 : vector<16xi1>, vector<16xf32>
      %select_n3A_496 = arith.select %gt3A_383, %select_n3A_495, %get3A_196 : vector<16xi1>, vector<16xf32>
      %mul3A_497 = arith.mulf %add3A_494, %get3A_315 : vector<16xf32>
      %sub3A_498 = arith.constant 1.000000e+00 : f32
      %sub3A_499 = vector.broadcast %sub3A_498 : f32 to vector<16xf32>
      %sub3A_500 = arith.subf %sub3A_499, %get3A_315 : vector<16xf32>
      %mul3A_501 = arith.mulf %sub3A_500, %select_n3A_496 : vector<16xf32>
      %add3A_502 = arith.addf %mul3A_497, %mul3A_501 : vector<16xf32>
      %swap3A_503 = arith.constant 7 : i32
      %swap3A_504 = arith.index_cast %swap3A_503 : i32 to index
      %swap3A_505 = arith.index_cast %mul3A_275 : i32 to index
      %swap3A_506 = tpu.vector_load %arg9[%swap3A_504, %swap3A_505] {strides = array<i32>} : memref<9x128xf32, #tpu.memory_space<vmem>>, vector<1x16xf32>,
      %swap3A_507 = vector.shape_cast %swap3A_506 : vector<1x16xf32> to vector<16xf32>
      %swap3A_508 = vector.shape_cast %add3A_502 : vector<16xf32> to vector<1x16xf32>
      tpu.vector_store %arg9[%swap3A_504, %swap3A_505], %swap3A_508 {strides = array<i32>} : memref<9x128xf32, #tpu.memory_space<vmem>>, vector<1x16xf32>,
      %get3A_509 = arith.constant 8 : i32
      %get3A_510 = arith.index_cast %get3A_509 : i32 to index
      %get3A_511 = arith.index_cast %mul3A_275 : i32 to index
      %get3A_512 = tpu.vector_load %arg9[%get3A_510, %get3A_511] {strides = array<i32>} : memref<9x128xf32, #tpu.memory_space<vmem>>, vector<1x16xf32>,
      %get3A_513 = vector.shape_cast %get3A_512 : vector<1x16xf32> to vector<16xf32>
      %mul3A_514 = arith.mulf %get3A_513, %get3A_320 : vector<16xf32>
      %sub3A_515 = arith.constant 1.000000e+00 : f32
      %sub3A_516 = vector.broadcast %sub3A_515 : f32 to vector<16xf32>
      %sub3A_517 = arith.subf %sub3A_516, %get3A_320 : vector<16xf32>
      %mul3A_518 = arith.mulf %sub3A_517, %get3A_76 : vector<16xf32>
      %add3A_519 = arith.addf %mul3A_514, %mul3A_518 : vector<16xf32>
      %select_n3A_520 = arith.select %gt3A_386, %get3A_211, %get3A_221 : vector<16xi1>, vector<16xf32>
      %select_n3A_521 = arith.select %gt3A_383, %select_n3A_520, %get3A_201 : vector<16xi1>, vector<16xf32>
      %mul3A_522 = arith.mulf %add3A_519, %get3A_320 : vector<16xf32>
      %sub3A_523 = arith.constant 1.000000e+00 : f32
      %sub3A_524 = vector.broadcast %sub3A_523 : f32 to vector<16xf32>
      %sub3A_525 = arith.subf %sub3A_524, %get3A_320 : vector<16xf32>
      %mul3A_526 = arith.mulf %sub3A_525, %select_n3A_521 : vector<16xf32>
      %add3A_527 = arith.addf %mul3A_522, %mul3A_526 : vector<16xf32>
      %swap3A_528 = arith.constant 8 : i32
      %swap3A_529 = arith.index_cast %swap3A_528 : i32 to index
      %swap3A_530 = arith.index_cast %mul3A_275 : i32 to index
      %swap3A_531 = tpu.vector_load %arg9[%swap3A_529, %swap3A_530] {strides = array<i32>} : memref<9x128xf32, #tpu.memory_space<vmem>>, vector<1x16xf32>,
      %swap3A_532 = vector.shape_cast %swap3A_531 : vector<1x16xf32> to vector<16xf32>
      %swap3A_533 = vector.shape_cast %add3A_527 : vector<16xf32> to vector<1x16xf32>
      tpu.vector_store %arg9[%swap3A_529, %swap3A_530], %swap3A_533 {strides = array<i32>} : memref<9x128xf32, #tpu.memory_space<vmem>>, vector<1x16xf32>,
      %select_n3A_534 = arith.select %gt3A_368, %get3A_91, %get3A_81 : vector<16xi1>, vector<16xf32>
      %select_n3A_535 = arith.select %gt3A_365, %select_n3A_534, %get3A_81 : vector<16xi1>, vector<16xf32>
      %select_n3A_536 = arith.select %gt3A_368, %get3A_96, %get3A_86 : vector<16xi1>, vector<16xf32>
      %select_n3A_537 = arith.select %gt3A_365, %select_n3A_536, %get3A_86 : vector<16xi1>, vector<16xf32>
      %select_n3A_538 = arith.select %gt3A_374, %get3A_101, %select_n3A_535 : vector<16xi1>, vector<16xf32>
      %select_n3A_539 = arith.select %gt3A_371, %select_n3A_538, %select_n3A_535 : vector<16xi1>, vector<16xf32>
      %select_n3A_540 = arith.select %gt3A_374, %get3A_106, %select_n3A_537 : vector<16xi1>, vector<16xf32>
      %select_n3A_541 = arith.select %gt3A_371, %select_n3A_540, %select_n3A_537 : vector<16xi1>, vector<16xf32>
      %select_n3A_542 = arith.select %gt3A_380, %get3A_111, %get3A_121 : vector<16xi1>, vector<16xf32>
      %select_n3A_543 = arith.select %gt3A_377, %select_n3A_542, %get3A_111 : vector<16xi1>, vector<16xf32>
      %select_n3A_544 = arith.select %gt3A_380, %get3A_116, %get3A_126 : vector<16xi1>, vector<16xf32>
      %select_n3A_545 = arith.select %gt3A_377, %select_n3A_544, %get3A_116 : vector<16xi1>, vector<16xf32>
      %select_n3A_546 = arith.select %gt3A_386, %get3A_176, %get3A_186 : vector<16xi1>, vector<16xf32>
      %select_n3A_547 = arith.select %gt3A_383, %select_n3A_546, %get3A_176 : vector<16xi1>, vector<16xf32>
      %select_n3A_548 = arith.select %gt3A_386, %get3A_181, %get3A_191 : vector<16xi1>, vector<16xf32>
      %select_n3A_549 = arith.select %gt3A_383, %select_n3A_548, %get3A_181 : vector<16xi1>, vector<16xf32>
      %get3A_550 = arith.constant 0 : i32
      %get3A_551 = arith.index_cast %get3A_550 : i32 to index
      %get3A_552 = arith.index_cast %mul3A_275 : i32 to index
      %get3A_553 = tpu.vector_load %arg12[%get3A_551, %get3A_552] {strides = array<i32>} : memref<6x128xf32, #tpu.memory_space<vmem>>, vector<1x16xf32>,
      %get3A_554 = vector.shape_cast %get3A_553 : vector<1x16xf32> to vector<16xf32>
      %get3A_555 = arith.constant 0 : i32
      %get3A_556 = arith.index_cast %get3A_555 : i32 to index
      %get3A_557 = arith.index_cast %mul3A_275 : i32 to index
      %get3A_558 = tpu.vector_load %arg10[%get3A_556, %get3A_557] {strides = array<i32>} : memref<6x128xf32, #tpu.memory_space<vmem>>, vector<1x16xf32>,
      %get3A_559 = vector.shape_cast %get3A_558 : vector<1x16xf32> to vector<16xf32>
      %mul3A_560 = arith.mulf %get3A_559, %get3A_554 : vector<16xf32>
      %sub3A_561 = arith.constant 1.000000e+00 : f32
      %sub3A_562 = vector.broadcast %sub3A_561 : f32 to vector<16xf32>
      %sub3A_563 = arith.subf %sub3A_562, %get3A_554 : vector<16xf32>
      %mul3A_564 = arith.mulf %sub3A_563, %select_n3A_539 : vector<16xf32>
      %add3A_565 = arith.addf %mul3A_560, %mul3A_564 : vector<16xf32>
      %mul3A_566 = arith.mulf %add3A_565, %get3A_554 : vector<16xf32>
      %sub3A_567 = arith.constant 1.000000e+00 : f32
      %sub3A_568 = vector.broadcast %sub3A_567 : f32 to vector<16xf32>
      %sub3A_569 = arith.subf %sub3A_568, %get3A_554 : vector<16xf32>
      %mul3A_570 = arith.mulf %sub3A_569, %get3A_226 : vector<16xf32>
      %add3A_571 = arith.addf %mul3A_566, %mul3A_570 : vector<16xf32>
      %swap3A_572 = arith.constant 0 : i32
      %swap3A_573 = arith.index_cast %swap3A_572 : i32 to index
      %swap3A_574 = arith.index_cast %mul3A_275 : i32 to index
      %swap3A_575 = tpu.vector_load %arg10[%swap3A_573, %swap3A_574] {strides = array<i32>} : memref<6x128xf32, #tpu.memory_space<vmem>>, vector<1x16xf32>,
      %swap3A_576 = vector.shape_cast %swap3A_575 : vector<1x16xf32> to vector<16xf32>
      %swap3A_577 = vector.shape_cast %add3A_571 : vector<16xf32> to vector<1x16xf32>
      tpu.vector_store %arg10[%swap3A_573, %swap3A_574], %swap3A_577 {strides = array<i32>} : memref<6x128xf32, #tpu.memory_space<vmem>>, vector<1x16xf32>,
      %get3A_578 = arith.constant 1 : i32
      %get3A_579 = arith.index_cast %get3A_578 : i32 to index
      %get3A_580 = arith.index_cast %mul3A_275 : i32 to index
      %get3A_581 = tpu.vector_load %arg12[%get3A_579, %get3A_580] {strides = array<i32>} : memref<6x128xf32, #tpu.memory_space<vmem>>, vector<1x16xf32>,
      %get3A_582 = vector.shape_cast %get3A_581 : vector<1x16xf32> to vector<16xf32>
      %get3A_583 = arith.constant 1 : i32
      %get3A_584 = arith.index_cast %get3A_583 : i32 to index
      %get3A_585 = arith.index_cast %mul3A_275 : i32 to index
      %get3A_586 = tpu.vector_load %arg10[%get3A_584, %get3A_585] {strides = array<i32>} : memref<6x128xf32, #tpu.memory_space<vmem>>, vector<1x16xf32>,
      %get3A_587 = vector.shape_cast %get3A_586 : vector<1x16xf32> to vector<16xf32>
      %mul3A_588 = arith.mulf %get3A_587, %get3A_582 : vector<16xf32>
      %sub3A_589 = arith.constant 1.000000e+00 : f32
      %sub3A_590 = vector.broadcast %sub3A_589 : f32 to vector<16xf32>
      %sub3A_591 = arith.subf %sub3A_590, %get3A_582 : vector<16xf32>
      %mul3A_592 = arith.mulf %sub3A_591, %select_n3A_541 : vector<16xf32>
      %add3A_593 = arith.addf %mul3A_588, %mul3A_592 : vector<16xf32>
      %mul3A_594 = arith.mulf %add3A_593, %get3A_582 : vector<16xf32>
      %sub3A_595 = arith.constant 1.000000e+00 : f32
      %sub3A_596 = vector.broadcast %sub3A_595 : f32 to vector<16xf32>
      %sub3A_597 = arith.subf %sub3A_596, %get3A_582 : vector<16xf32>
      %mul3A_598 = arith.mulf %sub3A_597, %get3A_231 : vector<16xf32>
      %add3A_599 = arith.addf %mul3A_594, %mul3A_598 : vector<16xf32>
      %swap3A_600 = arith.constant 1 : i32
      %swap3A_601 = arith.index_cast %swap3A_600 : i32 to index
      %swap3A_602 = arith.index_cast %mul3A_275 : i32 to index
      %swap3A_603 = tpu.vector_load %arg10[%swap3A_601, %swap3A_602] {strides = array<i32>} : memref<6x128xf32, #tpu.memory_space<vmem>>, vector<1x16xf32>,
      %swap3A_604 = vector.shape_cast %swap3A_603 : vector<1x16xf32> to vector<16xf32>
      %swap3A_605 = vector.shape_cast %add3A_599 : vector<16xf32> to vector<1x16xf32>
      tpu.vector_store %arg10[%swap3A_601, %swap3A_602], %swap3A_605 {strides = array<i32>} : memref<6x128xf32, #tpu.memory_space<vmem>>, vector<1x16xf32>,
      %get3A_606 = arith.constant 2 : i32
      %get3A_607 = arith.index_cast %get3A_606 : i32 to index
      %get3A_608 = arith.index_cast %mul3A_275 : i32 to index
      %get3A_609 = tpu.vector_load %arg12[%get3A_607, %get3A_608] {strides = array<i32>} : memref<6x128xf32, #tpu.memory_space<vmem>>, vector<1x16xf32>,
      %get3A_610 = vector.shape_cast %get3A_609 : vector<1x16xf32> to vector<16xf32>
      %get3A_611 = arith.constant 2 : i32
      %get3A_612 = arith.index_cast %get3A_611 : i32 to index
      %get3A_613 = arith.index_cast %mul3A_275 : i32 to index
      %get3A_614 = tpu.vector_load %arg10[%get3A_612, %get3A_613] {strides = array<i32>} : memref<6x128xf32, #tpu.memory_space<vmem>>, vector<1x16xf32>,
      %get3A_615 = vector.shape_cast %get3A_614 : vector<1x16xf32> to vector<16xf32>
      %mul3A_616 = arith.mulf %get3A_615, %get3A_610 : vector<16xf32>
      %sub3A_617 = arith.constant 1.000000e+00 : f32
      %sub3A_618 = vector.broadcast %sub3A_617 : f32 to vector<16xf32>
      %sub3A_619 = arith.subf %sub3A_618, %get3A_610 : vector<16xf32>
      %mul3A_620 = arith.mulf %sub3A_619, %select_n3A_543 : vector<16xf32>
      %add3A_621 = arith.addf %mul3A_616, %mul3A_620 : vector<16xf32>
      %mul3A_622 = arith.mulf %add3A_621, %get3A_610 : vector<16xf32>
      %sub3A_623 = arith.constant 1.000000e+00 : f32
      %sub3A_624 = vector.broadcast %sub3A_623 : f32 to vector<16xf32>
      %sub3A_625 = arith.subf %sub3A_624, %get3A_610 : vector<16xf32>
      %mul3A_626 = arith.mulf %sub3A_625, %get3A_236 : vector<16xf32>
      %add3A_627 = arith.addf %mul3A_622, %mul3A_626 : vector<16xf32>
      %swap3A_628 = arith.constant 2 : i32
      %swap3A_629 = arith.index_cast %swap3A_628 : i32 to index
      %swap3A_630 = arith.index_cast %mul3A_275 : i32 to index
      %swap3A_631 = tpu.vector_load %arg10[%swap3A_629, %swap3A_630] {strides = array<i32>} : memref<6x128xf32, #tpu.memory_space<vmem>>, vector<1x16xf32>,
      %swap3A_632 = vector.shape_cast %swap3A_631 : vector<1x16xf32> to vector<16xf32>
      %swap3A_633 = vector.shape_cast %add3A_627 : vector<16xf32> to vector<1x16xf32>
      tpu.vector_store %arg10[%swap3A_629, %swap3A_630], %swap3A_633 {strides = array<i32>} : memref<6x128xf32, #tpu.memory_space<vmem>>, vector<1x16xf32>,
      %get3A_634 = arith.constant 3 : i32
      %get3A_635 = arith.index_cast %get3A_634 : i32 to index
      %get3A_636 = arith.index_cast %mul3A_275 : i32 to index
      %get3A_637 = tpu.vector_load %arg12[%get3A_635, %get3A_636] {strides = array<i32>} : memref<6x128xf32, #tpu.memory_space<vmem>>, vector<1x16xf32>,
      %get3A_638 = vector.shape_cast %get3A_637 : vector<1x16xf32> to vector<16xf32>
      %get3A_639 = arith.constant 3 : i32
      %get3A_640 = arith.index_cast %get3A_639 : i32 to index
      %get3A_641 = arith.index_cast %mul3A_275 : i32 to index
      %get3A_642 = tpu.vector_load %arg10[%get3A_640, %get3A_641] {strides = array<i32>} : memref<6x128xf32, #tpu.memory_space<vmem>>, vector<1x16xf32>,
      %get3A_643 = vector.shape_cast %get3A_642 : vector<1x16xf32> to vector<16xf32>
      %mul3A_644 = arith.mulf %get3A_643, %get3A_638 : vector<16xf32>
      %sub3A_645 = arith.constant 1.000000e+00 : f32
      %sub3A_646 = vector.broadcast %sub3A_645 : f32 to vector<16xf32>
      %sub3A_647 = arith.subf %sub3A_646, %get3A_638 : vector<16xf32>
      %mul3A_648 = arith.mulf %sub3A_647, %select_n3A_545 : vector<16xf32>
      %add3A_649 = arith.addf %mul3A_644, %mul3A_648 : vector<16xf32>
      %mul3A_650 = arith.mulf %add3A_649, %get3A_638 : vector<16xf32>
      %sub3A_651 = arith.constant 1.000000e+00 : f32
      %sub3A_652 = vector.broadcast %sub3A_651 : f32 to vector<16xf32>
      %sub3A_653 = arith.subf %sub3A_652, %get3A_638 : vector<16xf32>
      %mul3A_654 = arith.mulf %sub3A_653, %get3A_241 : vector<16xf32>
      %add3A_655 = arith.addf %mul3A_650, %mul3A_654 : vector<16xf32>
      %swap3A_656 = arith.constant 3 : i32
      %swap3A_657 = arith.index_cast %swap3A_656 : i32 to index
      %swap3A_658 = arith.index_cast %mul3A_275 : i32 to index
      %swap3A_659 = tpu.vector_load %arg10[%swap3A_657, %swap3A_658] {strides = array<i32>} : memref<6x128xf32, #tpu.memory_space<vmem>>, vector<1x16xf32>,
      %swap3A_660 = vector.shape_cast %swap3A_659 : vector<1x16xf32> to vector<16xf32>
      %swap3A_661 = vector.shape_cast %add3A_655 : vector<16xf32> to vector<1x16xf32>
      tpu.vector_store %arg10[%swap3A_657, %swap3A_658], %swap3A_661 {strides = array<i32>} : memref<6x128xf32, #tpu.memory_space<vmem>>, vector<1x16xf32>,
      %get3A_662 = arith.constant 4 : i32
      %get3A_663 = arith.index_cast %get3A_662 : i32 to index
      %get3A_664 = arith.index_cast %mul3A_275 : i32 to index
      %get3A_665 = tpu.vector_load %arg12[%get3A_663, %get3A_664] {strides = array<i32>} : memref<6x128xf32, #tpu.memory_space<vmem>>, vector<1x16xf32>,
      %get3A_666 = vector.shape_cast %get3A_665 : vector<1x16xf32> to vector<16xf32>
      %get3A_667 = arith.constant 4 : i32
      %get3A_668 = arith.index_cast %get3A_667 : i32 to index
      %get3A_669 = arith.index_cast %mul3A_275 : i32 to index
      %get3A_670 = tpu.vector_load %arg10[%get3A_668, %get3A_669] {strides = array<i32>} : memref<6x128xf32, #tpu.memory_space<vmem>>, vector<1x16xf32>,
      %get3A_671 = vector.shape_cast %get3A_670 : vector<1x16xf32> to vector<16xf32>
      %mul3A_672 = arith.mulf %get3A_671, %get3A_666 : vector<16xf32>
      %sub3A_673 = arith.constant 1.000000e+00 : f32
      %sub3A_674 = vector.broadcast %sub3A_673 : f32 to vector<16xf32>
      %sub3A_675 = arith.subf %sub3A_674, %get3A_666 : vector<16xf32>
      %mul3A_676 = arith.mulf %sub3A_675, %select_n3A_547 : vector<16xf32>
      %add3A_677 = arith.addf %mul3A_672, %mul3A_676 : vector<16xf32>
      %mul3A_678 = arith.mulf %add3A_677, %get3A_666 : vector<16xf32>
      %sub3A_679 = arith.constant 1.000000e+00 : f32
      %sub3A_680 = vector.broadcast %sub3A_679 : f32 to vector<16xf32>
      %sub3A_681 = arith.subf %sub3A_680, %get3A_666 : vector<16xf32>
      %mul3A_682 = arith.mulf %sub3A_681, %get3A_246 : vector<16xf32>
      %add3A_683 = arith.addf %mul3A_678, %mul3A_682 : vector<16xf32>
      %swap3A_684 = arith.constant 4 : i32
      %swap3A_685 = arith.index_cast %swap3A_684 : i32 to index
      %swap3A_686 = arith.index_cast %mul3A_275 : i32 to index
      %swap3A_687 = tpu.vector_load %arg10[%swap3A_685, %swap3A_686] {strides = array<i32>} : memref<6x128xf32, #tpu.memory_space<vmem>>, vector<1x16xf32>,
      %swap3A_688 = vector.shape_cast %swap3A_687 : vector<1x16xf32> to vector<16xf32>
      %swap3A_689 = vector.shape_cast %add3A_683 : vector<16xf32> to vector<1x16xf32>
      tpu.vector_store %arg10[%swap3A_685, %swap3A_686], %swap3A_689 {strides = array<i32>} : memref<6x128xf32, #tpu.memory_space<vmem>>, vector<1x16xf32>,
      %get3A_690 = arith.constant 5 : i32
      %get3A_691 = arith.index_cast %get3A_690 : i32 to index
      %get3A_692 = arith.index_cast %mul3A_275 : i32 to index
      %get3A_693 = tpu.vector_load %arg12[%get3A_691, %get3A_692] {strides = array<i32>} : memref<6x128xf32, #tpu.memory_space<vmem>>, vector<1x16xf32>,
      %get3A_694 = vector.shape_cast %get3A_693 : vector<1x16xf32> to vector<16xf32>
      %get3A_695 = arith.constant 5 : i32
      %get3A_696 = arith.index_cast %get3A_695 : i32 to index
      %get3A_697 = arith.index_cast %mul3A_275 : i32 to index
      %get3A_698 = tpu.vector_load %arg10[%get3A_696, %get3A_697] {strides = array<i32>} : memref<6x128xf32, #tpu.memory_space<vmem>>, vector<1x16xf32>,
      %get3A_699 = vector.shape_cast %get3A_698 : vector<1x16xf32> to vector<16xf32>
      %mul3A_700 = arith.mulf %get3A_699, %get3A_694 : vector<16xf32>
      %sub3A_701 = arith.constant 1.000000e+00 : f32
      %sub3A_702 = vector.broadcast %sub3A_701 : f32 to vector<16xf32>
      %sub3A_703 = arith.subf %sub3A_702, %get3A_694 : vector<16xf32>
      %mul3A_704 = arith.mulf %sub3A_703, %select_n3A_549 : vector<16xf32>
      %add3A_705 = arith.addf %mul3A_700, %mul3A_704 : vector<16xf32>
      %mul3A_706 = arith.mulf %add3A_705, %get3A_694 : vector<16xf32>
      %sub3A_707 = arith.constant 1.000000e+00 : f32
      %sub3A_708 = vector.broadcast %sub3A_707 : f32 to vector<16xf32>
      %sub3A_709 = arith.subf %sub3A_708, %get3A_694 : vector<16xf32>
      %mul3A_710 = arith.mulf %sub3A_709, %get3A_251 : vector<16xf32>
      %add3A_711 = arith.addf %mul3A_706, %mul3A_710 : vector<16xf32>
      %swap3A_712 = arith.constant 5 : i32
      %swap3A_713 = arith.index_cast %swap3A_712 : i32 to index
      %swap3A_714 = arith.index_cast %mul3A_275 : i32 to index
      %swap3A_715 = tpu.vector_load %arg10[%swap3A_713, %swap3A_714] {strides = array<i32>} : memref<6x128xf32, #tpu.memory_space<vmem>>, vector<1x16xf32>,
      %swap3A_716 = vector.shape_cast %swap3A_715 : vector<1x16xf32> to vector<16xf32>
      %swap3A_717 = vector.shape_cast %add3A_711 : vector<16xf32> to vector<1x16xf32>
      tpu.vector_store %arg10[%swap3A_713, %swap3A_714], %swap3A_717 {strides = array<i32>} : memref<6x128xf32, #tpu.memory_space<vmem>>, vector<1x16xf32>,
    }
    %scan3A_256 = arith.constant 8 : i32
    %dma_start3A_257 = arith.constant 0 : i32
    %dma_start3A_258 = tpu.memref_slice %arg7[%dma_start3A_257, %mul3A_2] : memref<9x4096xf32, #tpu.memory_space<hbm>> -> memref<9x128xf32, #tpu.memory_space<hbm>>
    %dma_start3A_259 = arith.constant 0 : i32
    %dma_start3A_260 = tpu.memref_slice %arg7[%dma_start3A_259, %mul3A_2] : memref<9x4096xf32, #tpu.memory_space<hbm>> -> memref<9x128xf32, #tpu.memory_space<hbm>>
    tpu.enqueue_dma source(%arg9 : memref<9x128xf32, #tpu.memory_space<vmem>>) target(%dma_start3A_260 : memref<9x128xf32, #tpu.memory_space<hbm>>) target_semaphore(%arg14 : memref<!tpu.dma_semaphore, #tpu.memory_space<semaphore_mem>>)
    %dma_start3A_261 = arith.constant 0 : i32
    %dma_start3A_262 = tpu.memref_slice %arg8[%dma_start3A_261, %mul3A_2] : memref<6x4096xf32, #tpu.memory_space<hbm>> -> memref<6x128xf32, #tpu.memory_space<hbm>>
    %dma_start3A_263 = arith.constant 0 : i32
    %dma_start3A_264 = tpu.memref_slice %arg8[%dma_start3A_263, %mul3A_2] : memref<6x4096xf32, #tpu.memory_space<hbm>> -> memref<6x128xf32, #tpu.memory_space<hbm>>
    tpu.enqueue_dma source(%arg10 : memref<6x128xf32, #tpu.memory_space<vmem>>) target(%dma_start3A_264 : memref<6x128xf32, #tpu.memory_space<hbm>>) target_semaphore(%arg14 : memref<!tpu.dma_semaphore, #tpu.memory_space<semaphore_mem>>)
    %dma_wait3A_265 = arith.constant 0 : i32
    %dma_wait3A_266 = tpu.memref_slice %arg7[%dma_wait3A_265, %mul3A_2] : memref<9x4096xf32, #tpu.memory_space<hbm>> -> memref<9x128xf32, #tpu.memory_space<hbm>>
    %dma_wait3A_267 = arith.constant 0 : i32
    %dma_wait3A_268 = tpu.memref_slice %arg7[%dma_wait3A_267, %mul3A_2] : memref<9x4096xf32, #tpu.memory_space<hbm>> -> memref<9x128xf32, #tpu.memory_space<hbm>>
    tpu.wait_dma2 semaphore(%arg14 : memref<!tpu.dma_semaphore, #tpu.memory_space<semaphore_mem>>) src(%arg9 : memref<9x128xf32, #tpu.memory_space<vmem>>) dst(%dma_wait3A_268 : memref<9x128xf32, #tpu.memory_space<hbm>>)
    %dma_wait3A_269 = arith.constant 0 : i32
    %dma_wait3A_270 = tpu.memref_slice %arg8[%dma_wait3A_269, %mul3A_2] : memref<6x4096xf32, #tpu.memory_space<hbm>> -> memref<6x128xf32, #tpu.memory_space<hbm>>
    %dma_wait3A_271 = arith.constant 0 : i32
    %dma_wait3A_272 = tpu.memref_slice %arg8[%dma_wait3A_271, %mul3A_2] : memref<6x4096xf32, #tpu.memory_space<hbm>> -> memref<6x128xf32, #tpu.memory_space<hbm>>
    tpu.wait_dma2 semaphore(%arg14 : memref<!tpu.dma_semaphore, #tpu.memory_space<semaphore_mem>>) src(%arg10 : memref<6x128xf32, #tpu.memory_space<vmem>>) dst(%dma_wait3A_272 : memref<6x128xf32, #tpu.memory_space<hbm>>)
    return
  }
}

module attributes {stable_mosaic.version = 14 : i64} {
  func.func @_tc_body(%arg0: i32, %arg1: memref<9x2048xf32, #tpu.memory_space<vmem>>, %arg2: memref<6x2048xf32, #tpu.memory_space<vmem>>, %arg3: memref<9x2048xf32, #tpu.memory_space<vmem>>, %arg4: memref<6x2048xf32, #tpu.memory_space<vmem>>, %arg5: memref<44x1xf32, #tpu.memory_space<vmem>>, %arg6: memref<9x2048xf32, #tpu.memory_space<vmem>>, %arg7: memref<6x2048xf32, #tpu.memory_space<vmem>>) attributes {dimension_semantics = [#tpu.dimension_semantics<parallel>], iteration_bounds = array<i64: 6>, scalar_prefetch = 0 : i64, scratch_operands = 0 : i64, tpu.core_type = #tpu.core_type<tc>, window_params = [{transform_indices = @transform_0, window_bounds = array<i64: 9, 2048>}, {transform_indices = @transform_1, window_bounds = array<i64: 6, 2048>}, {transform_indices = @transform_2, window_bounds = array<i64: 9, 2048>}, {transform_indices = @transform_3, window_bounds = array<i64: 6, 2048>}, {pipeline_mode = #tpu.pipeline_mode<synchronous>, transform_indices = @transform_4, window_bounds = array<i64: 44, 1>}, {transform_indices = @transform_5, window_bounds = array<i64: 9, 2048>}, {transform_indices = @transform_6, window_bounds = array<i64: 6, 2048>}]} {
    %get3A = arith.constant 0 : index
    %get3A_0 = arith.constant 0 : index
    %get3A_1 = vector.load %arg1[%get3A, %get3A_0] : memref<9x2048xf32, #tpu.memory_space<vmem>>, vector<9x2048xf32>
    %get3A_2 = arith.constant 0 : index
    %get3A_3 = arith.constant 0 : index
    %get3A_4 = vector.load %arg2[%get3A_2, %get3A_3] : memref<6x2048xf32, #tpu.memory_space<vmem>>, vector<6x2048xf32>
    %get3A_5 = arith.constant 0 : index
    %get3A_6 = arith.constant 0 : index
    %get3A_7 = vector.load %arg3[%get3A_5, %get3A_6] : memref<9x2048xf32, #tpu.memory_space<vmem>>, vector<9x2048xf32>
    %get3A_8 = arith.constant 0 : index
    %get3A_9 = arith.constant 0 : index
    %get3A_10 = vector.load %arg4[%get3A_8, %get3A_9] : memref<6x2048xf32, #tpu.memory_space<vmem>>, vector<6x2048xf32>
    %get3A_11 = arith.constant 0 : index
    %get3A_12 = arith.constant 0 : index
    %get3A_13 = vector.load %arg5[%get3A_11, %get3A_12] : memref<44x1xf32, #tpu.memory_space<vmem>>, vector<44x1xf32>
    %slice3A = vector.extract_strided_slice %get3A_13 {offsets = [0, 0], sizes = [9, 1], strides = [1, 1]} : vector<44x1xf32> to vector<9x1xf32>
    %slice3A_14 = vector.extract_strided_slice %get3A_13 {offsets = [9, 0], sizes = [2, 1], strides = [1, 1]} : vector<44x1xf32> to vector<2x1xf32>
    %slice3A_15 = vector.extract_strided_slice %get3A_13 {offsets = [11, 0], sizes = [2, 1], strides = [1, 1]} : vector<44x1xf32> to vector<2x1xf32>
    %slice3A_16 = vector.extract_strided_slice %get3A_13 {offsets = [13, 0], sizes = [2, 1], strides = [1, 1]} : vector<44x1xf32> to vector<2x1xf32>
    %slice3A_17 = vector.extract_strided_slice %get3A_13 {offsets = [15, 0], sizes = [2, 1], strides = [1, 1]} : vector<44x1xf32> to vector<2x1xf32>
    %slice3A_18 = vector.extract_strided_slice %get3A_13 {offsets = [17, 0], sizes = [2, 1], strides = [1, 1]} : vector<44x1xf32> to vector<2x1xf32>
    %slice3A_19 = vector.extract_strided_slice %get3A_13 {offsets = [19, 0], sizes = [3, 1], strides = [1, 1]} : vector<44x1xf32> to vector<3x1xf32>
    %slice3A_20 = vector.extract_strided_slice %get3A_13 {offsets = [22, 0], sizes = [3, 1], strides = [1, 1]} : vector<44x1xf32> to vector<3x1xf32>
    %slice3A_21 = vector.extract_strided_slice %get3A_13 {offsets = [25, 0], sizes = [3, 1], strides = [1, 1]} : vector<44x1xf32> to vector<3x1xf32>
    %slice3A_22 = vector.extract_strided_slice %get3A_13 {offsets = [28, 0], sizes = [2, 1], strides = [1, 1]} : vector<44x1xf32> to vector<2x1xf32>
    %slice3A_23 = vector.extract_strided_slice %get3A_13 {offsets = [30, 0], sizes = [2, 1], strides = [1, 1]} : vector<44x1xf32> to vector<2x1xf32>
    %slice3A_24 = vector.extract_strided_slice %get3A_13 {offsets = [32, 0], sizes = [2, 1], strides = [1, 1]} : vector<44x1xf32> to vector<2x1xf32>
    %slice3A_25 = vector.extract_strided_slice %get3A_13 {offsets = [34, 0], sizes = [2, 1], strides = [1, 1]} : vector<44x1xf32> to vector<2x1xf32>
    %slice3A_26 = vector.extract_strided_slice %get3A_13 {offsets = [36, 0], sizes = [2, 1], strides = [1, 1]} : vector<44x1xf32> to vector<2x1xf32>
    %slice3A_27 = vector.extract_strided_slice %get3A_13 {offsets = [38, 0], sizes = [6, 1], strides = [1, 1]} : vector<44x1xf32> to vector<6x1xf32>
    %mul3A = arith.mulf %get3A_1, %get3A_7 : vector<9x2048xf32>
    %sub3A = arith.constant 1.000000e+00 : f32
    %sub3A_28 = vector.broadcast %sub3A : f32 to vector<9x2048xf32>
    %sub3A_29 = arith.subf %sub3A_28, %get3A_7 : vector<9x2048xf32>
    %mul3A_30 = vector.broadcast %slice3A : vector<9x1xf32> to vector<9x2048xf32>
    %mul3A_31 = arith.mulf %sub3A_29, %mul3A_30 : vector<9x2048xf32>
    %add3A = arith.addf %mul3A, %mul3A_31 : vector<9x2048xf32>
    %slice3A_32 = vector.extract_strided_slice %get3A_7 {offsets = [0, 0], sizes = [1, 2048], strides = [1, 1]} : vector<9x2048xf32> to vector<1x2048xf32>
    %gt3A = arith.constant 5.000000e-01 : f32
    %gt3A_33 = vector.broadcast %gt3A : f32 to vector<1x2048xf32>
    %gt3A_34 = arith.cmpf ogt, %slice3A_32, %gt3A_33 : vector<1x2048xf32>
    %slice3A_35 = vector.extract_strided_slice %add3A {offsets = [0, 0], sizes = [1, 2048], strides = [1, 1]} : vector<9x2048xf32> to vector<1x2048xf32>
    %gt3A_36 = arith.constant 5.000000e-01 : f32
    %gt3A_37 = vector.broadcast %gt3A_36 : f32 to vector<1x2048xf32>
    %gt3A_38 = arith.cmpf ogt, %slice3A_35, %gt3A_37 : vector<1x2048xf32>
    %and3A = arith.andi %gt3A_34, %gt3A_38 : vector<1x2048xi1>
    %slice3A_39 = vector.extract_strided_slice %get3A_7 {offsets = [1, 0], sizes = [1, 2048], strides = [1, 1]} : vector<9x2048xf32> to vector<1x2048xf32>
    %gt3A_40 = arith.constant 5.000000e-01 : f32
    %gt3A_41 = vector.broadcast %gt3A_40 : f32 to vector<1x2048xf32>
    %gt3A_42 = arith.cmpf ogt, %slice3A_39, %gt3A_41 : vector<1x2048xf32>
    %slice3A_43 = vector.extract_strided_slice %add3A {offsets = [1, 0], sizes = [1, 2048], strides = [1, 1]} : vector<9x2048xf32> to vector<1x2048xf32>
    %gt3A_44 = arith.constant 5.000000e-01 : f32
    %gt3A_45 = vector.broadcast %gt3A_44 : f32 to vector<1x2048xf32>
    %gt3A_46 = arith.cmpf ogt, %slice3A_43, %gt3A_45 : vector<1x2048xf32>
    %and3A_47 = arith.andi %gt3A_42, %gt3A_46 : vector<1x2048xi1>
    %slice3A_48 = vector.extract_strided_slice %get3A_7 {offsets = [2, 0], sizes = [1, 2048], strides = [1, 1]} : vector<9x2048xf32> to vector<1x2048xf32>
    %gt3A_49 = arith.constant 5.000000e-01 : f32
    %gt3A_50 = vector.broadcast %gt3A_49 : f32 to vector<1x2048xf32>
    %gt3A_51 = arith.cmpf ogt, %slice3A_48, %gt3A_50 : vector<1x2048xf32>
    %slice3A_52 = vector.extract_strided_slice %add3A {offsets = [2, 0], sizes = [1, 2048], strides = [1, 1]} : vector<9x2048xf32> to vector<1x2048xf32>
    %gt3A_53 = arith.constant 5.000000e-01 : f32
    %gt3A_54 = vector.broadcast %gt3A_53 : f32 to vector<1x2048xf32>
    %gt3A_55 = arith.cmpf ogt, %slice3A_52, %gt3A_54 : vector<1x2048xf32>
    %and3A_56 = arith.andi %gt3A_51, %gt3A_55 : vector<1x2048xi1>
    %not3A = arith.constant dense<true> : vector<1x2048xi1>
    %not3A_57 = arith.xori %gt3A_55, %not3A : vector<1x2048xi1>
    %and3A_58 = arith.andi %gt3A_51, %not3A_57 : vector<1x2048xi1>
    %slice3A_59 = vector.extract_strided_slice %get3A_7 {offsets = [6, 0], sizes = [1, 2048], strides = [1, 1]} : vector<9x2048xf32> to vector<1x2048xf32>
    %gt3A_60 = arith.constant 5.000000e-01 : f32
    %gt3A_61 = vector.broadcast %gt3A_60 : f32 to vector<1x2048xf32>
    %gt3A_62 = arith.cmpf ogt, %slice3A_59, %gt3A_61 : vector<1x2048xf32>
    %slice3A_63 = vector.extract_strided_slice %add3A {offsets = [6, 0], sizes = [1, 2048], strides = [1, 1]} : vector<9x2048xf32> to vector<1x2048xf32>
    %gt3A_64 = arith.constant 5.000000e-01 : f32
    %gt3A_65 = vector.broadcast %gt3A_64 : f32 to vector<1x2048xf32>
    %gt3A_66 = arith.cmpf ogt, %slice3A_63, %gt3A_65 : vector<1x2048xf32>
    %and3A_67 = arith.andi %gt3A_62, %gt3A_66 : vector<1x2048xi1>
    %not3A_68 = arith.constant dense<true> : vector<1x2048xi1>
    %not3A_69 = arith.xori %gt3A_66, %not3A_68 : vector<1x2048xi1>
    %and3A_70 = arith.andi %gt3A_62, %not3A_69 : vector<1x2048xi1>
    %broadcast_in_dim3A = vector.shape_cast %and3A : vector<1x2048xi1> to vector<1x2048xi1>
    %broadcast_in_dim3A_71 = vector.broadcast %broadcast_in_dim3A : vector<1x2048xi1> to vector<2x2048xi1>
    %broadcast_in_dim3A_72 = vector.shape_cast %slice3A_15 : vector<2x1xf32> to vector<2x1xf32>
    %broadcast_in_dim3A_73 = vector.broadcast %broadcast_in_dim3A_72 : vector<2x1xf32> to vector<2x2048xf32>
    %broadcast_in_dim3A_74 = vector.shape_cast %slice3A_14 : vector<2x1xf32> to vector<2x1xf32>
    %broadcast_in_dim3A_75 = vector.broadcast %broadcast_in_dim3A_74 : vector<2x1xf32> to vector<2x2048xf32>
    %select_n3A = arith.select %broadcast_in_dim3A_71, %broadcast_in_dim3A_73, %broadcast_in_dim3A_75 : vector<2x2048xi1>, vector<2x2048xf32>
    %broadcast_in_dim3A_76 = vector.shape_cast %and3A_47 : vector<1x2048xi1> to vector<1x2048xi1>
    %broadcast_in_dim3A_77 = vector.broadcast %broadcast_in_dim3A_76 : vector<1x2048xi1> to vector<2x2048xi1>
    %broadcast_in_dim3A_78 = vector.shape_cast %slice3A_16 : vector<2x1xf32> to vector<2x1xf32>
    %broadcast_in_dim3A_79 = vector.broadcast %broadcast_in_dim3A_78 : vector<2x1xf32> to vector<2x2048xf32>
    %select_n3A_80 = arith.select %broadcast_in_dim3A_77, %broadcast_in_dim3A_79, %select_n3A : vector<2x2048xi1>, vector<2x2048xf32>
    %broadcast_in_dim3A_81 = vector.shape_cast %and3A_58 : vector<1x2048xi1> to vector<1x2048xi1>
    %broadcast_in_dim3A_82 = vector.broadcast %broadcast_in_dim3A_81 : vector<1x2048xi1> to vector<2x2048xi1>
    %broadcast_in_dim3A_83 = vector.shape_cast %slice3A_18 : vector<2x1xf32> to vector<2x1xf32>
    %broadcast_in_dim3A_84 = vector.broadcast %broadcast_in_dim3A_83 : vector<2x1xf32> to vector<2x2048xf32>
    %broadcast_in_dim3A_85 = vector.shape_cast %slice3A_17 : vector<2x1xf32> to vector<2x1xf32>
    %broadcast_in_dim3A_86 = vector.broadcast %broadcast_in_dim3A_85 : vector<2x1xf32> to vector<2x2048xf32>
    %select_n3A_87 = arith.select %broadcast_in_dim3A_82, %broadcast_in_dim3A_84, %broadcast_in_dim3A_86 : vector<2x2048xi1>, vector<2x2048xf32>
    %broadcast_in_dim3A_88 = vector.shape_cast %and3A_70 : vector<1x2048xi1> to vector<1x2048xi1>
    %broadcast_in_dim3A_89 = vector.broadcast %broadcast_in_dim3A_88 : vector<1x2048xi1> to vector<2x2048xi1>
    %broadcast_in_dim3A_90 = vector.shape_cast %slice3A_23 : vector<2x1xf32> to vector<2x1xf32>
    %broadcast_in_dim3A_91 = vector.broadcast %broadcast_in_dim3A_90 : vector<2x1xf32> to vector<2x2048xf32>
    %broadcast_in_dim3A_92 = vector.shape_cast %slice3A_22 : vector<2x1xf32> to vector<2x1xf32>
    %broadcast_in_dim3A_93 = vector.broadcast %broadcast_in_dim3A_92 : vector<2x1xf32> to vector<2x2048xf32>
    %select_n3A_94 = arith.select %broadcast_in_dim3A_89, %broadcast_in_dim3A_91, %broadcast_in_dim3A_93 : vector<2x2048xi1>, vector<2x2048xf32>
    %broadcast_in_dim3A_95 = vector.shape_cast %and3A_56 : vector<1x2048xi1> to vector<1x2048xi1>
    %broadcast_in_dim3A_96 = vector.broadcast %broadcast_in_dim3A_95 : vector<1x2048xi1> to vector<3x2048xi1>
    %broadcast_in_dim3A_97 = vector.shape_cast %slice3A_20 : vector<3x1xf32> to vector<3x1xf32>
    %broadcast_in_dim3A_98 = vector.broadcast %broadcast_in_dim3A_97 : vector<3x1xf32> to vector<3x2048xf32>
    %broadcast_in_dim3A_99 = vector.shape_cast %slice3A_19 : vector<3x1xf32> to vector<3x1xf32>
    %broadcast_in_dim3A_100 = vector.broadcast %broadcast_in_dim3A_99 : vector<3x1xf32> to vector<3x2048xf32>
    %select_n3A_101 = arith.select %broadcast_in_dim3A_96, %broadcast_in_dim3A_98, %broadcast_in_dim3A_100 : vector<3x2048xi1>, vector<3x2048xf32>
    %broadcast_in_dim3A_102 = vector.shape_cast %and3A_58 : vector<1x2048xi1> to vector<1x2048xi1>
    %broadcast_in_dim3A_103 = vector.broadcast %broadcast_in_dim3A_102 : vector<1x2048xi1> to vector<3x2048xi1>
    %broadcast_in_dim3A_104 = vector.shape_cast %slice3A_21 : vector<3x1xf32> to vector<3x1xf32>
    %broadcast_in_dim3A_105 = vector.broadcast %broadcast_in_dim3A_104 : vector<3x1xf32> to vector<3x2048xf32>
    %select_n3A_106 = arith.select %broadcast_in_dim3A_103, %broadcast_in_dim3A_105, %select_n3A_101 : vector<3x2048xi1>, vector<3x2048xf32>
    %broadcast_in_dim3A_107 = vector.shape_cast %and3A_67 : vector<1x2048xi1> to vector<1x2048xi1>
    %broadcast_in_dim3A_108 = vector.broadcast %broadcast_in_dim3A_107 : vector<1x2048xi1> to vector<2x2048xi1>
    %broadcast_in_dim3A_109 = vector.shape_cast %slice3A_25 : vector<2x1xf32> to vector<2x1xf32>
    %broadcast_in_dim3A_110 = vector.broadcast %broadcast_in_dim3A_109 : vector<2x1xf32> to vector<2x2048xf32>
    %broadcast_in_dim3A_111 = vector.shape_cast %slice3A_24 : vector<2x1xf32> to vector<2x1xf32>
    %broadcast_in_dim3A_112 = vector.broadcast %broadcast_in_dim3A_111 : vector<2x1xf32> to vector<2x2048xf32>
    %select_n3A_113 = arith.select %broadcast_in_dim3A_108, %broadcast_in_dim3A_110, %broadcast_in_dim3A_112 : vector<2x2048xi1>, vector<2x2048xf32>
    %broadcast_in_dim3A_114 = vector.shape_cast %and3A_70 : vector<1x2048xi1> to vector<1x2048xi1>
    %broadcast_in_dim3A_115 = vector.broadcast %broadcast_in_dim3A_114 : vector<1x2048xi1> to vector<2x2048xi1>
    %broadcast_in_dim3A_116 = vector.shape_cast %slice3A_26 : vector<2x1xf32> to vector<2x1xf32>
    %broadcast_in_dim3A_117 = vector.broadcast %broadcast_in_dim3A_116 : vector<2x1xf32> to vector<2x2048xf32>
    %select_n3A_118 = arith.select %broadcast_in_dim3A_115, %broadcast_in_dim3A_117, %select_n3A_113 : vector<2x2048xi1>, vector<2x2048xf32>
    %slice3A_119 = vector.extract_strided_slice %add3A {offsets = [0, 0], sizes = [3, 2048], strides = [1, 1]} : vector<9x2048xf32> to vector<3x2048xf32>
    %swap3A = arith.constant 0 : index
    %swap3A_120 = arith.constant 0 : index
    %swap3A_121 = vector.load %arg6[%swap3A, %swap3A_120] : memref<9x2048xf32, #tpu.memory_space<vmem>>, vector<3x2048xf32>
    tpu.vector_store %arg6[%swap3A, %swap3A_120], %slice3A_119 {strides = array<i32>} : memref<9x2048xf32, #tpu.memory_space<vmem>>, vector<3x2048xf32>,
    %slice3A_122 = vector.extract_strided_slice %get3A_7 {offsets = [3, 0], sizes = [3, 2048], strides = [1, 1]} : vector<9x2048xf32> to vector<3x2048xf32>
    %slice3A_123 = vector.extract_strided_slice %add3A {offsets = [3, 0], sizes = [3, 2048], strides = [1, 1]} : vector<9x2048xf32> to vector<3x2048xf32>
    %mul3A_124 = arith.mulf %slice3A_123, %slice3A_122 : vector<3x2048xf32>
    %sub3A_125 = arith.constant 1.000000e+00 : f32
    %sub3A_126 = vector.broadcast %sub3A_125 : f32 to vector<3x2048xf32>
    %sub3A_127 = arith.subf %sub3A_126, %slice3A_122 : vector<3x2048xf32>
    %mul3A_128 = arith.mulf %sub3A_127, %select_n3A_106 : vector<3x2048xf32>
    %add3A_129 = arith.addf %mul3A_124, %mul3A_128 : vector<3x2048xf32>
    %swap3A_130 = arith.constant 3 : index
    %swap3A_131 = arith.constant 0 : index
    %swap3A_132 = vector.load %arg6[%swap3A_130, %swap3A_131] : memref<9x2048xf32, #tpu.memory_space<vmem>>, vector<3x2048xf32>
    tpu.vector_store %arg6[%swap3A_130, %swap3A_131], %add3A_129 {strides = array<i32>} : memref<9x2048xf32, #tpu.memory_space<vmem>>, vector<3x2048xf32>,
    %slice3A_133 = vector.extract_strided_slice %add3A {offsets = [6, 0], sizes = [1, 2048], strides = [1, 1]} : vector<9x2048xf32> to vector<1x2048xf32>
    %swap3A_134 = arith.constant 6 : index
    %swap3A_135 = arith.constant 0 : index
    %swap3A_136 = vector.load %arg6[%swap3A_134, %swap3A_135] : memref<9x2048xf32, #tpu.memory_space<vmem>>, vector<1x2048xf32>
    tpu.vector_store %arg6[%swap3A_134, %swap3A_135], %slice3A_133 {strides = array<i32>} : memref<9x2048xf32, #tpu.memory_space<vmem>>, vector<1x2048xf32>,
    %slice3A_137 = vector.extract_strided_slice %get3A_7 {offsets = [7, 0], sizes = [2, 2048], strides = [1, 1]} : vector<9x2048xf32> to vector<2x2048xf32>
    %slice3A_138 = vector.extract_strided_slice %add3A {offsets = [7, 0], sizes = [2, 2048], strides = [1, 1]} : vector<9x2048xf32> to vector<2x2048xf32>
    %mul3A_139 = arith.mulf %slice3A_138, %slice3A_137 : vector<2x2048xf32>
    %sub3A_140 = arith.constant 1.000000e+00 : f32
    %sub3A_141 = vector.broadcast %sub3A_140 : f32 to vector<2x2048xf32>
    %sub3A_142 = arith.subf %sub3A_141, %slice3A_137 : vector<2x2048xf32>
    %mul3A_143 = arith.mulf %sub3A_142, %select_n3A_118 : vector<2x2048xf32>
    %add3A_144 = arith.addf %mul3A_139, %mul3A_143 : vector<2x2048xf32>
    %swap3A_145 = arith.constant 7 : index
    %swap3A_146 = arith.constant 0 : index
    %swap3A_147 = vector.load %arg6[%swap3A_145, %swap3A_146] : memref<9x2048xf32, #tpu.memory_space<vmem>>, vector<2x2048xf32>
    tpu.vector_store %arg6[%swap3A_145, %swap3A_146], %add3A_144 {strides = array<i32>} : memref<9x2048xf32, #tpu.memory_space<vmem>>, vector<2x2048xf32>,
    %concatenate3A = tpu.concatenate %select_n3A_80, %select_n3A_87, %select_n3A_94 in 0 : vector<2x2048xf32>, vector<2x2048xf32>, vector<2x2048xf32> -> vector<6x2048xf32>
    %mul3A_148 = arith.mulf %get3A_4, %get3A_10 : vector<6x2048xf32>
    %sub3A_149 = arith.constant 1.000000e+00 : f32
    %sub3A_150 = vector.broadcast %sub3A_149 : f32 to vector<6x2048xf32>
    %sub3A_151 = arith.subf %sub3A_150, %get3A_10 : vector<6x2048xf32>
    %mul3A_152 = arith.mulf %sub3A_151, %concatenate3A : vector<6x2048xf32>
    %add3A_153 = arith.addf %mul3A_148, %mul3A_152 : vector<6x2048xf32>
    %mul3A_154 = arith.mulf %add3A_153, %get3A_10 : vector<6x2048xf32>
    %sub3A_155 = arith.constant 1.000000e+00 : f32
    %sub3A_156 = vector.broadcast %sub3A_155 : f32 to vector<6x2048xf32>
    %sub3A_157 = arith.subf %sub3A_156, %get3A_10 : vector<6x2048xf32>
    %mul3A_158 = vector.broadcast %slice3A_27 : vector<6x1xf32> to vector<6x2048xf32>
    %mul3A_159 = arith.mulf %sub3A_157, %mul3A_158 : vector<6x2048xf32>
    %add3A_160 = arith.addf %mul3A_154, %mul3A_159 : vector<6x2048xf32>
    %swap3A_161 = arith.constant 0 : index
    %swap3A_162 = arith.constant 0 : index
    %swap3A_163 = vector.load %arg7[%swap3A_161, %swap3A_162] : memref<6x2048xf32, #tpu.memory_space<vmem>>, vector<6x2048xf32>
    tpu.vector_store %arg7[%swap3A_161, %swap3A_162], %add3A_160 {strides = array<i32>} : memref<6x2048xf32, #tpu.memory_space<vmem>>, vector<6x2048xf32>,
    return
  }
  func.func @transform_0(%arg0: i32) -> (i32, i32) {
    %add3A = arith.constant 2 : i32
    %add3A_0 = arith.addi %arg0, %add3A : i32
    %c0_i32 = arith.constant 0 : i32
    %c0_i32_1 = arith.constant 0 : i32
    return %c0_i32, %add3A_0 : i32, i32
  }
  func.func @transform_1(%arg0: i32) -> (i32, i32) {
    %add3A = arith.constant 2 : i32
    %add3A_0 = arith.addi %arg0, %add3A : i32
    %c0_i32 = arith.constant 0 : i32
    %c0_i32_1 = arith.constant 0 : i32
    return %c0_i32, %add3A_0 : i32, i32
  }
  func.func @transform_2(%arg0: i32) -> (i32, i32) {
    %add3A = arith.constant 2 : i32
    %add3A_0 = arith.addi %arg0, %add3A : i32
    %c0_i32 = arith.constant 0 : i32
    %c0_i32_1 = arith.constant 0 : i32
    return %c0_i32, %add3A_0 : i32, i32
  }
  func.func @transform_3(%arg0: i32) -> (i32, i32) {
    %add3A = arith.constant 2 : i32
    %add3A_0 = arith.addi %arg0, %add3A : i32
    %c0_i32 = arith.constant 0 : i32
    %c0_i32_1 = arith.constant 0 : i32
    return %c0_i32, %add3A_0 : i32, i32
  }
  func.func @transform_4(%arg0: i32) -> (i32, i32) {
    %c0_i32 = arith.constant 0 : i32
    %c0_i32_0 = arith.constant 0 : i32
    %c0_i32_1 = arith.constant 0 : i32
    return %c0_i32, %c0_i32_0 : i32, i32
  }
  func.func @transform_5(%arg0: i32) -> (i32, i32) {
    %c0_i32 = arith.constant 0 : i32
    %c0_i32_0 = arith.constant 0 : i32
    return %c0_i32, %arg0 : i32, i32
  }
  func.func @transform_6(%arg0: i32) -> (i32, i32) {
    %c0_i32 = arith.constant 0 : i32
    %c0_i32_0 = arith.constant 0 : i32
    return %c0_i32, %arg0 : i32, i32
  }
}

</mosaic_0001>

<sc_bundles>
// kernel: kernel.4.cloned.1.call-start
scs
__scs_entry_jumppad:
0x0: {  	(pc) =	sbr.rel $0x88, $3  }
0x1: {  	(tag) =	ssettag $0x0;
	lr =	simm.s32 $0x1  }
0x2: {  	[smem:$0x3F8E] =	sst lr;
	_ =	strace $0xD0000000  }
0x3: {  	_ = 	snop  }
0x4: {  	_ = 	snop  }
0x5: {  	_ = 	snop  }
0x6: {  	_ = 	snop  }
0x7: {  	_ = 	snop  }
__scs_overlays_trampoline_lowered:
0x8: {  	[smem:$0x3F9D] =	sst s0  }
0x9: {  	[smem:$0x3F9E] =	sst s1  }
0xa: {  	[smem:$0x3F9F] =	sst s2  }
0xb: {  	[smem:$0x3FA0] =	sst s3  }
0xc: {  	[smem:$0x3FA1] =	sst s4  }
0xd: {  	[smem:$0x3FA2] =	sst s5  }
0xe: {  	[smem:$0x3FA3] =	sst s6  }
0xf: {  	[smem:$0x3FA4] =	sst s7  }
0x10: {  	[smem:$0x3FA5] =	sst s8  }
0x11: {  	[smem:$0x3FA6] =	sst s9;
	s0 =	simm.s32 @!p0 $0x0  }
0x12: {  	s1 =	sld [smem:$0x3F8C];
	s0 =	simm.s32 @p0 $0x1  }
0x13: {  	[smem:$0x3FA7] =	sst s0;
	s0 =	simm.s32 @!p1 $0x0  }
0x14: {  	s2 =	sld [smem:$0x3F8B];
	s0 =	simm.s32 @p1 $0x1  }
0x15: {  	[smem:$0x3FA8] =	sst s0;
	s0 =	simm.s32 @!p2 $0x0  }
0x16: {  	s3 =	sld [smem:$0x3FDB];
	s0 =	simm.s32 @p2 $0x1  }
0x17: {  	s4 =	simm.s32 $0x1BF5;
	[smem:$0x3FAA] =	sst s0  }
0x18: {  	s0 =	sld [smem:$0x3F8D];
	_ =	swait.ge [sflag:s4], $0x0  }
0x19: {  	s7 =	sld [smem:$0x3F8E]  }
0x1a: {  	s8 =	sadd.s32 $0xFFFFE003, lr  }
0x1b: {  	s9 =	sadd.s32 $0xFFFFFEF7, lr;
	s5 =	simm.s32 $0xFFFFFFFF;
	p2 =	slt.u32 s8, $0xFFFFF086  }
0x1c: {  	p1 =	slt.u32 s9, $0xF7A;
	s5 =	simm.s32 @!p2 $0x0  }
0x1d: {  	s5 =	simm.s32 @p1 $0x1;
	p0 =	seq.s32 s7, s2  }
0x1e: {  	s7 =	smul.u32 @!p0 $0xF7A, s2;
	p2 =	seq.s32 @!p0 s5, $0x0  }
0x1f: {  	s9 =	smul.u32 $0xF7A, s1;
	s8 =	simm.s32 @!p0 $0x1BF5;
	p2 =	por !p2, p0  }
0x20: {  	[sflag:s8] =	ssyncset.s32 @!p0 $0xFFFFF086;
	s6 =	sadd.s32 @!p0 s3, s7;
	s7 =	simm.s32 @!p0 $0x108  }
0x21: {  	s3 =	sadd.s32 s3, s9;
	s6 =	sadd.s32 @!p0 $0x88, s6;
	s7 =	simm.s32 @p2 $0x1082  }
0x22: {  	[simem:s7], [sflag:s8] =	dma.local @!p0 [hbm:s6], $0xF7A  }
0x23: {  	s9 =	sor.u32 $0xD0000000, s2;
	s6 =	simm.s32 $0x108;
	_ =	swait.ge @!p0 [sflag:s8], $0x0  }
0x24: {  	s3 =	sadd.s32 $0x88, s3;
	s6 =	simm.s32 @!p1 $0x1082;
	[sflag:s4] =	ssyncset.s32 $0xFFFFF086  }
0x25: {  	[simem:s6], [sflag:s4] =	dma.local [hbm:s3], $0xF7A  }
0x26: {  	[smem:$0x3F8E] =	sst s1;
	(tag) =	ssettag s2;
	_ =	strace s9  }
0x27: {  	s1 =	sld [smem:$0x3F9E]  }
0x28: {  	s2 =	sld [smem:$0x3F9F]  }
0x29: {  	s4 =	sld [smem:$0x3FA1]  }
0x2a: {  	p0 =	seq.s32 s5, $0x0;
	s5 =	sld [smem:$0x3FA2]  }
0x2b: {  	s6 =	sld [smem:$0x3FA3]  }
0x2c: {  	s7 =	sld [smem:$0x3FA4]  }
0x2d: {  	s3 =	simm.s32 $0x108;
	s8 =	sld [smem:$0x3FA5]  }
0x2e: {  	s3 =	simm.s32 @!p0 $0x1082;
	s9 =	sld [smem:$0x3FA6]  }
0x2f: {  	lr =	sadd.s32 s0, s3;
	s0 =	sld [smem:$0x3F9D]  }
0x30: {  	s3 =	sld [smem:$0x3FA0]  }
0x31: {  	[smem:$0x3FA9] =	sst s10  }
0x32: {  	s10 =	sld [smem:$0x3FA7];
	_ =	sdelay $0x3  }
0x33: {  	p0 =	seq.s32 s10, $0x1;
	s10 =	sld [smem:$0x3FA9];
	_ =	sdelay $0x3  }
0x34: {  	[smem:$0x3FA9] =	sst s10  }
0x35: {  	s10 =	sld [smem:$0x3FA8];
	_ =	sdelay $0x3  }
0x36: {  	p1 =	seq.s32 s10, $0x1;
	s10 =	sld [smem:$0x3FA9];
	_ =	sdelay $0x3  }
0x37: {  	[smem:$0x3FA9] =	sst s10  }
0x38: {  	s10 =	sld [smem:$0x3FAA]  }
0x39: {  	_ = 	snop;
	(pc) =	sbr.ind lr, $3  }
0x3a: {  	_ = 	snop  }
0x3b: {  	_ = 	snop  }
0x3c: {  	p2 =	seq.s32 s10, $0x1;
	s10 =	sld [smem:$0x3FA9]  }
0x3d: {  	_ =	shalt  }
0x3e: {  	_ =	shalt  }
0x3f: {  	_ =	shalt  }
0x40: {  	_ =	shalt  }
0x41: {  	_ =	shalt  }
0x42: {  	_ =	shalt  }
0x43: {  	_ =	shalt  }
0x44: {  	_ =	shalt  }
0x45: {  	_ =	shalt  }
0x46: {  	_ =	shalt  }
0x47: {  	_ =	shalt  }
0x48: {  	_ =	shalt  }
0x49: {  	_ =	shalt  }
0x4a: {  	_ =	shalt  }
0x4b: {  	_ =	shalt  }
0x4c: {  	_ =	shalt  }
0x4d: {  	_ =	shalt  }
0x4e: {  	_ =	shalt  }
0x4f: {  	_ =	shalt  }
0x50: {  	_ =	shalt  }
0x51: {  	_ =	shalt  }
0x52: {  	_ =	shalt  }
0x53: {  	_ =	shalt  }
0x54: {  	_ =	shalt  }
0x55: {  	_ =	shalt  }
0x56: {  	_ =	shalt  }
0x57: {  	_ =	shalt  }
0x58: {  	_ =	shalt  }
0x59: {  	_ =	shalt  }
0x5a: {  	_ =	shalt  }
0x5b: {  	_ =	shalt  }
0x5c: {  	_ =	shalt  }
0x5d: {  	_ =	shalt  }
0x5e: {  	_ =	shalt  }
0x5f: {  	_ =	shalt  }
0x60: {  	_ =	shalt  }
0x61: {  	_ =	shalt  }
0x62: {  	_ =	shalt  }
0x63: {  	_ =	shalt  }
0x64: {  	_ =	shalt  }
0x65: {  	_ =	shalt  }
0x66: {  	_ =	shalt  }
0x67: {  	_ =	shalt  }
0x68: {  	_ =	shalt  }
0x69: {  	_ =	shalt  }
0x6a: {  	_ =	shalt  }
0x6b: {  	_ =	shalt  }
0x6c: {  	_ =	shalt  }
0x6d: {  	_ =	shalt  }
0x6e: {  	_ =	shalt  }
0x6f: {  	_ =	shalt  }
0x70: {  	_ =	shalt  }
0x71: {  	_ =	shalt  }
0x72: {  	_ =	shalt  }
0x73: {  	_ =	shalt  }
0x74: {  	_ =	shalt  }
0x75: {  	_ =	shalt  }
0x76: {  	_ =	shalt  }
0x77: {  	_ =	shalt  }
0x78: {  	_ =	shalt  }
0x79: {  	_ =	shalt  }
0x7a: {  	_ =	shalt  }
0x7b: {  	_ =	shalt  }
0x7c: {  	_ =	shalt  }
0x7d: {  	_ =	shalt  }
0x7e: {  	_ =	shalt  }
0x7f: {  	_ =	shalt  }
0x80: {  	_ =	shalt  }
0x81: {  	_ =	shalt  }
0x82: {  	_ =	shalt  }
0x83: {  	_ =	shalt  }
0x84: {  	_ =	shalt  }
0x85: {  	_ =	shalt  }
0x86: {  	_ =	shalt  }
0x87: {  	_ =	shalt  }
.Lfunc_end0:
.L_simem_size_0:
called_computation_lowered:
.L_overlay_start_0:
0x88: {  	s2 =	sld [smem:$0x3FD9]  }
0x89: {  	s3 =	sld [smem:$0x3FFE];
	_ =	sdelay $0x1  }
0x8a: {  	s1 =	srdreg.scid  }
0x8b: {  	s0 =	sand.u32 $0x1, s1  }
0x8c: {  	s14 =	sshll.u32 s0, $0xA;
	s2 =	sadd.s32 s3, s2  }
0x8d: {  	s2 =	sadd.s32 s2, s14  }
0x8e: {  	[smem:$0x3FB5] =	sst s2  }
0x8f: {  	_ = 	snop  }
0x90: {  	s2 =	sld [smem:$0x3FC9]  }
0x91: {  	s15 =	sld [smem:$0x3FD0]  }
0x92: {  	s4 =	sld [smem:$0x3FC8]  }
0x93: {  	s5 =	sld [smem:$0x3FC7]  }
0x94: {  	s7 =	simm.s32 $0xA;
	s8 =	simm.s32 $0x10;
	s6 =	sld [smem:$0x3FC6]  }
0x95: {  	[smem:s8], [sflag:s7] =	dma.local [hbm:s15], $0x1  }
0x96: {  	_ =	swait.eq [sflag:s7], $0x1  }
0x97: {  	[sflag:s7] =	ssyncset.done $0x0  }
0x98: {  	s16 =	sld [smem:$0x10];
	[sflag:s7] =	ssyncadd.s32 $0xFFFFFFFF  }
0x99: {  	s17 =	sld [smem:$0x11];
	(tm) =	ssettm $0x1  }
0x9a: {  	s18 =	sld [smem:$0x3FFB];
	_ =	sdelay $0x3  }
0x9b: {  	_ =	strace s18  }
0x9c: {  	s8 =	sld [smem:$0x3FFC];
	_ =	sdelay $0x3  }
0x9d: {  	_ =	strace s8  }
0x9e: {  	s8 =	sld [smem:$0x3FFD];
	_ =	sdelay $0x3  }
0x9f: {  	_ =	strace s8  }
0xa0: {  	_ =	strace $0x8FFFFFFF  }
0xa1: {  	s19 =	sld [smem:$0x3FDB];
	_ =	sdelay $0x1  }
0xa2: {  	s9 =	simm.s32 $_scs_section_size  }
0xa3: {  	s10 =	simm.s32 $_size__tile_overlayer_lowered;
	s11 =	simm.s32 $_tile_overlayer_lowered  }
0xa4: {  	s22 =	simm.s32 $0x1BFF;
	s21 =	sshll.u32 s11, $0x1;
	s8 =	sadd.s32 s9, s19  }
0xa5: {  	s12 =	simm.s32 $0x0;
	s20 =	sshll.u32 s10, $0x1;
	s10 =	sadd.s32 s21, s8  }
0xa6: {  	[timem:s12], [sflag:s22] =	dma.local [hbm:s10], s20  }
0xa7: {  	_ =	swait.ge [sflag:s22], s20  }
0xa8: {  	s9 =	ssub.s32 $0x0, s20;
	[sflag:s22] =	ssyncset.done $0x0  }
0xa9: {  	[sflag:s22] =	ssyncadd.s32 s9;
	_ =	sdelay $0x1  }
0xaa: {  	s23 =	simm.s32 $0x1B8B  }
0xab: {  	_ =	swait.ge [sflag:s23], $0x1  }
0xac: {  	[sflag:s23] =	ssyncset.done $0x0  }
0xad: {  	s25 =	simm.s32 $0x1B8E;
	s24 =	sld [smem:$0x3FFE];
	[sflag:s23] =	ssyncadd.s32 $0xFFFFFFFF  }
0xae: {  	s26 =	simm.s32 $execute0_lowered;
	[smem:$0x3FD2] =	sst s25  }
0xaf: {  	s10 =	sshll.u32 s26, $0x1;
	_ =	strace $0x80000046;
	[dreg:$0x1] =	wrdreg $0xFFFFFFFF  }
0xb0: {  	s28 =	simm.s32 $_size_execute0_lowered;
	s8 =	sadd.s32 s8, s10;
	[dreg:$0x0] =	wrdreg $0x0  }
0xb1: {  	s10 =	sshll.u32 s28, $0x1;
	[dreg:$0x2] =	wrdreg s8  }
0xb2: {  	[dreg:$0x3] =	wrdreg s10  }
0xb3: {  	[dreg:$0x4] =	wrdreg $0xC0  }
0xb4: {  	_ =	task [dreg:s12], $0x5FFFF  }
0xb5: {  	[dreg:$0x1] =	wrdreg $0xFFFFFFFF  }
0xb6: {  	[dreg:$0x0] =	wrdreg $0x60  }
0xb7: {  	[dreg:$0x2] =	wrdreg s2  }
0xb8: {  	[dreg:$0x3] =	wrdreg s4  }
0xb9: {  	[dreg:$0x4] =	wrdreg s5  }
0xba: {  	[dreg:$0x5] =	wrdreg s6  }
0xbb: {  	[dreg:$0x6] =	wrdreg s16  }
0xbc: {  	[dreg:$0x7] =	wrdreg s17  }
0xbd: {  	[dreg:$0x8] =	wrdreg s24  }
0xbe: {  	[dreg:$0x9] =	wrdreg $0x9  }
0xbf: {  	_ =	task.clear_ibuf [dreg:s12], $0xAFFFF;
	_ =	strace $0x90000046  }
0xc0: {  	s29 =	simm.s32 $0x9;
	_ =	strace $0x80000048  }
0xc1: {  	_ =	swait.ge [sflag:s29], $0x1  }
0xc2: {  	[sflag:s29] =	ssyncadd.s32 $0xFFFFFFFF  }
0xc3: {  	_ =	strace $0x90000048  }
0xc4: {  	_ =	sfence  }
0xc5: {  	s30 =	sld [smem:$0x0];
	_ =	sdelay $0x2  }
0xc6: {  	s31 =	sshll.u32 s1, $0xD;
	s1 =	sshrl.u32 s1, $0x2  }
0xc7: {  	s3 =	sand.u32 $0x4000, s31;
	s1 =	sadd.s32 s1, s30  }
0xc8: {  	s0 =	sor.u32 s3, s0;
	s1 =	sshll.u32 s1, $0x11  }
0xc9: {  	s0 =	sor.u32 s1, s0  }
0xca: {  	s0 =	sadd.s32 $0x8F2B, s0  }
0xcb: {  	[sflag:s0] =	ssyncadd.remote.s32 $0x1  }
0xcc: {  	_ =	sfence.sel $0xFFFF  }
0xcd: {  	[dreg:$0x0] =	wrdreg $0xFFFFFFFF;
	(pc) =	sbr.abs _section_cstart, $3  }
0xce: {  	[dreg:$0x1] =	wrdreg $0xFFFFFFFF  }
0xcf: {  	_ =	task.clear_ibuf [dreg:s12], $0x2FFFF;
	_ =	strace $0x9FFFFFFF  }
0xd0: {  	(tm) =	ssettm $0x7FFFFFFF  }
0xd1: {  	_ =	shalt  }
tec
execute0_lowered:
.L_overlay_start_1:
0x0: {  	(tag) =	ssettag $0x1  }
0x1: {  	s4 =	rddreg [dreg:$0x0]  }
0x2: {  	s8 =	rddreg [dreg:$0x1]  }
0x3: {  	s5 =	rddreg [dreg:$0x2]  }
0x4: {  	s9 =	rddreg [dreg:$0x3]  }
0x5: {  	s1 =	rddreg [dreg:$0x4]  }
0x6: {  	s10 =	rddreg [dreg:$0x5]  }
0x7: {  	s6 =	rddreg [dreg:$0x6];
	s3 =	srdreg.scid  }
0x8: {  	s0 =	rddreg [dreg:$0x7];
	s2 =	stileid.u32;
	s14 =	simm.s32 $0xC00  }
0x9: {  	s15 =	simm.s32 $0x1000;
	s16 =	simm.s32 $0x20000;
	s17 =	simm.s32 $0x800  }
0xa: {  	s18 =	simm.s32 $0x1400;
	s19 =	simm.s32 $0x1800;
	s20 =	simm.s32 $0x1  }
0xb: {  	s22 =	simm.s32 $0x8000;
	s23 =	simm.s32 $0x0;
	s7 =	sand.u32 $0x1, s3  }
0xc: {  	s3 =	simm.s32 $0x0;
	s11 =	sshll.u32 s2, $0x8;
	s12 =	sshll.u32 s7, $0x7  }
0xd: {  	[smem:$0x7FF] =	sst s3;
	s7 =	ssub.s32 $0x2, s7;
	s11 =	sor.u32 s12, s11  }
0xe: {  	_ =	strace $0x80000047;
	s31 =	sshrl.u32 s7, $0x1;
	s12 =	sadd.s32 s11, s6  }
0xf: {  	s13 =	ssub.s32 s7, s31;
	s4 =	sadd.s32 s4, s11;
	s5 =	sadd.s32 s5, s11  }
0x10: {  	s8 =	sadd.s32 s8, s11;
	s9 =	sadd.s32 s9, s11;
	s10 =	sadd.s32 s10, s11  }
0x11: {  	s6 =	sadd.s32 $0x4000, s4;
	s7 =	sadd.s32 $0x4000, s5;
	s11 =	sadd.s32 $0x1A00, s12  }
0x12: {  	s12 =	smax.u32 s13, $0x1;
	s13 =	simm.s32 $0x400;
	s21 =	sadd.s32 $0x1000, s10  }
.LBB2_1:
0x13: {  	[tilespmem:s3], [sflag:$0x1] =	stream.linear.gather [hbm4b:s4+s3], $0x400, $0x38;
	[tilespmem:$0x3000] =	vst v63  }
0x14: {  	_ = 	snop  }
0x15: {  	[tilespmem:s13], [sflag:$0x1] =	stream.linear.gather [hbm4b:s6+s3], $0x80, $0x38;
	[tilespmem:$0x3000] =	vst v63  }
0x16: {  	_ = 	snop  }
0x17: {  	[tilespmem:s14], [sflag:$0x1] =	stream.linear.gather [hbm4b:s5+s3], $0x400, $0x38;
	[tilespmem:$0x3000] =	vst v63  }
0x18: {  	_ = 	snop  }
0x19: {  	[tilespmem:s15], [sflag:$0x1] =	stream.linear.gather [hbm4b:s7+s3], $0x80, $0x38;
	[tilespmem:$0x3000] =	vst v63  }
0x1a: {  	_ = 	snop  }
0x1b: {  	[tilespmem:s17], [sflag:$0x1] =	stream.strided.gather [hbm4b:s8+s13], $0x0, s16, s13, $0x38;
	[tilespmem:$0x3000] =	vst v63  }
0x1c: {  	_ = 	snop  }
0x1d: {  	[tilespmem:s17], [sflag:$0x1] =	stream.linear.gather [hbm4b:s8+s3], $0x300, $0x38;
	[tilespmem:$0x3000] =	vst v63  }
0x1e: {  	_ = 	snop  }
0x1f: {  	[tilespmem:s18], [sflag:$0x1] =	stream.strided.gather [hbm4b:s9+s13], $0x0, s16, s13, $0x38;
	[tilespmem:$0x3000] =	vst v63  }
0x20: {  	_ = 	snop  }
0x21: {  	[tilespmem:s18], [sflag:$0x1] =	stream.linear.gather [hbm4b:s9+s3], $0x300, $0x38;
	[tilespmem:$0x3000] =	vst v63  }
0x22: {  	_ = 	snop  }
0x23: {  	[tilespmem:s19], [sflag:$0x1] =	stream.linear.gather [hbm4b:s1+s3], $0x1600, $0x38;
	[tilespmem:$0x3000] =	vst v63  }
0x24: {  	_ =	swait.ge [sflag:s20], $0x480  }
0x25: {  	[sflag:s20] =	ssyncset.done $0x0  }
0x26: {  	[sflag:s20] =	ssyncadd.s32 $0xFFFFFB80  }
0x27: {  	_ =	swait.ge [sflag:s20], $0x480  }
0x28: {  	[sflag:s20] =	ssyncset.done $0x0  }
0x29: {  	[sflag:s20] =	ssyncadd.s32 $0xFFFFFB80  }
0x2a: {  	_ =	swait.ge [sflag:s20], $0x300  }
0x2b: {  	[sflag:s20] =	ssyncset.done $0x0  }
0x2c: {  	[sflag:s20] =	ssyncadd.s32 $0xFFFFFD00  }
0x2d: {  	_ =	swait.ge [sflag:s20], $0x300  }
0x2e: {  	[sflag:s20] =	ssyncset.done $0x0  }
0x2f: {  	[sflag:s20] =	ssyncadd.s32 $0xFFFFFD00  }
0x30: {  	_ =	swait.ge [sflag:s20], $0x1600  }
0x31: {  	[sflag:s20] =	ssyncset.done $0x0  }
0x32: {  	[sflag:s20] =	ssyncadd.s32 $0xFFFFEA00  }
0x33: {  	v0 =	vld [tilespmem:$0x1C80];
	_ =	sdelay $0x4  }
0x34: {  	[tilespmem:$0x1FE60] =	vst v0;
	v0 =	vld [tilespmem:$0x1D00];
	_ =	sdelay $0x4  }
0x35: {  	[tilespmem:$0x1FE70] =	vst v0;
	v0 =	vld [tilespmem:$0x1D80];
	_ =	sdelay $0x4  }
0x36: {  	[tilespmem:$0x1FE80] =	vst v0;
	v0 =	vld [tilespmem:$0x1E00];
	_ =	sdelay $0x4  }
0x37: {  	[tilespmem:$0x1FE90] =	vst v0;
	v0 =	vld [tilespmem:$0x1E80];
	_ =	sdelay $0x4  }
0x38: {  	[tilespmem:$0x1FEA0] =	vst v0;
	v0 =	vld [tilespmem:$0x1F00];
	_ =	sdelay $0x4  }
0x39: {  	[tilespmem:$0x1FEB0] =	vst v0;
	v0 =	vld [tilespmem:$0x1F80];
	_ =	sdelay $0x4  }
0x3a: {  	[tilespmem:$0x1FEC0] =	vst v0;
	v0 =	vld [tilespmem:$0x2000];
	_ =	sdelay $0x4  }
0x3b: {  	[tilespmem:$0x1FED0] =	vst v0;
	v0 =	vld [tilespmem:$0x2080];
	_ =	sdelay $0x4  }
0x3c: {  	[tilespmem:$0x1FEE0] =	vst v0;
	v0 =	vld [tilespmem:$0x2100];
	_ =	sdelay $0x4  }
0x3d: {  	[tilespmem:$0x1FEF0] =	vst v0;
	v0 =	vld [tilespmem:$0x2180];
	_ =	sdelay $0x4  }
0x3e: {  	[tilespmem:$0x1FF00] =	vst v0;
	v0 =	vld [tilespmem:$0x2200];
	_ =	sdelay $0x4  }
0x3f: {  	[tilespmem:$0x1FF10] =	vst v0;
	v0 =	vld [tilespmem:$0x2280];
	_ =	sdelay $0x4  }
0x40: {  	[tilespmem:$0x1FF20] =	vst v0;
	v0 =	vld [tilespmem:$0x2300];
	_ =	sdelay $0x4  }
0x41: {  	[tilespmem:$0x1FF30] =	vst v0;
	v0 =	vld [tilespmem:$0x2380];
	_ =	sdelay $0x4  }
0x42: {  	[tilespmem:$0x1FF40] =	vst v0;
	v0 =	vld [tilespmem:$0x2400];
	_ =	sdelay $0x4  }
0x43: {  	[tilespmem:$0x1FF50] =	vst v0;
	v0 =	vld [tilespmem:$0x2480];
	_ =	sdelay $0x4  }
0x44: {  	[tilespmem:$0x1FF60] =	vst v0;
	v0 =	vld [tilespmem:$0x2500];
	_ =	sdelay $0x4  }
0x45: {  	[tilespmem:$0x1FF70] =	vst v0;
	v0 =	vld [tilespmem:$0x2580];
	_ =	sdelay $0x4  }
0x46: {  	[tilespmem:$0x1FF80] =	vst v0;
	v0 =	vld [tilespmem:$0x2800]  }
0x47: {  	v20 =	vld [tilespmem:$0x1800]  }
0x48: {  	v19 =	vld [tilespmem:$0x1880]  }
0x49: {  	v21 =	vld [tilespmem:$0x1900]  }
0x4a: {  	v16 =	vld [tilespmem:$0x1980]  }
0x4b: {  	[tilespmem:$0x1FF90] =	vst v0;
	v0 =	vld [tilespmem:$0x2880]  }
0x4c: {  	v14 =	vld [tilespmem:$0x1A00]  }
0x4d: {  	v18 =	vld [tilespmem:$0x1A80]  }
0x4e: {  	v22 =	vld [tilespmem:$0x1B00]  }
0x4f: {  	v23 =	vld [tilespmem:$0x1B80]  }
0x50: {  	[tilespmem:$0x1FFA0] =	vst v0;
	v0 =	vld [tilespmem:$0x2900]  }
0x51: {  	v12 =	vld [tilespmem:$0x1C00]  }
0x52: {  	v24 =	vld [tilespmem:$0x2600]  }
0x53: {  	v25 =	vld [tilespmem:$0x2680]  }
0x54: {  	v26 =	vld [tilespmem:$0x2700]  }
0x55: {  	[tilespmem:$0x1FFB0] =	vst v0;
	v0 =	vld [tilespmem:$0x2980]  }
0x56: {  	v27 =	vld [tilespmem:$0x2780]  }
0x57: {  	v42 =	vld [tilespmem:$0x2B00]  }
0x58: {  	v43 =	vld [tilespmem:$0x2B80]  }
0x59: {  	v44 =	vld [tilespmem:$0x2C80]  }
0x5a: {  	[tilespmem:$0x1FFC0] =	vst v0;
	v0 =	vld [tilespmem:$0x2A00]  }
0x5b: {  	v45 =	vld [tilespmem:$0x2D00]  }
0x5c: {  	s24 =	simm.s32 $0xFFFFFF80;
	v46 =	vld [tilespmem:$0x2D80]  }
0x5d: {  	v1 =	vld [tilespmem:s24+$0xE80]  }
0x5e: {  	v3 =	vld [tilespmem:s24+$0x1000]  }
0x5f: {  	[tilespmem:$0x1FFD0] =	vst v0;
	v0 =	vld [tilespmem:$0x2A80]  }
0x60: {  	v2 =	vld [tilespmem:s24+$0x1080]  }
0x61: {  	v4 =	vld [tilespmem:s24+$0xE00]  }
0x62: {  	v6 =	vld [tilespmem:s24+$0xC80]  }
0x63: {  	v5 =	vld [tilespmem:s24+$0x480]  }
0x64: {  	[tilespmem:$0x1FFE0] =	vst v0;
	v0 =	vld [tilespmem:$0x2C00]  }
0x65: {  	v8 =	vld [tilespmem:s24+$0x280]  }
0x66: {  	v10 =	vld [tilespmem:s24+$0xF80]  }
0x67: {  	v11 =	vld [tilespmem:s24+$0x200]  }
0x68: {  	v15 =	vld [tilespmem:s24+$0xD00]  }
0x69: {  	v52 =	vsub.f32 $1.000000000e+00, v2;
	v53 =	vsub.f32 $1.000000000e+00, v1;
	[tilespmem:$0x1FFF0] =	vst v0;
	v0 =	vld [tilespmem:s24+$0xF00]  }
0x6a: {  	v17 =	vld [tilespmem:s24+$0x1700];
	v5 =	vmul.f32 v5, v2;
	v8 =	vmul.f32 v8, v1  }
0x6b: {  	v13 =	vld [tilespmem:s24+$0x300];
	v37 =	vmovc v12;
	v32 =	vmov v14;
	v12 =	vmul.f32 v52, v12;
	v14 =	vmul.f32 v53, v14  }
0x6c: {  	v47 =	vld [tilespmem:s24+$0x1680];
	v48 =	vsub.f32 $1.000000000e+00, v4;
	v11 =	vmul.f32 v11, v4;
	vm1 =	vgt.f32 v10, $5.000000000e-01  }
0x6d: {  	vm5 =	vgt.f32 v15, $5.000000000e-01;
	v5 =	vadd.f32 v5, v12;
	v12 =	vld [tilespmem:s24+$0x380];
	v8 =	vadd.f32 v8, v14  }
0x6e: {  	vm3 =	vgt.f32 v6, $5.000000000e-01;
	v50 =	vsub.f32 $1.000000000e+00, v3;
	v14 =	vld [tilespmem:s24+$0x100];
	v57 =	vsub.f32 $1.000000000e+00, v0  }
0x6f: {  	v54 =	vsub.f32 $1.000000000e+00, v17;
	v61 =	vmul.f32 v5, v2;
	v59 =	vmul.f32 v8, v1;
	v8 =	vld [tilespmem:s24+$0xD80]  }
0x70: {  	v1 =	vld [tilespmem:s24+$0x180];
	v2 =	vmul.f32 v13, v0;
	v13 =	vsub.f32 $1.000000000e+00, v10;
	v5 =	vmul.f32 v57, v18  }
0x71: {  	v7 =	vld [tilespmem:s24+$0x1500];
	v33 =	vmovc v18;
	v31 =	vmovc v16;
	v16 =	vmul.f32 v48, v16;
	v49 =	vmul.f32 v54, v46;
	v18 =	vsub.f32 $1.000000000e+00, v15  }
0x72: {  	v2 =	vadd.f32 v2, v5;
	v5 =	vmul.f32 v12, v10;
	v12 =	vmul.f32 v13, v22;
	v13 =	vld [tilespmem:s24+$0x80]  }
0x73: {  	v9 =	vld [tilespmem:s24+$0xA80];
	v11 =	vadd.f32 v11, v16;
	v14 =	vmul.f32 v14, v15;
	v16 =	vmul.f32 v18, v19  }
0x74: {  	v51 =	vld [tilespmem:s24+$0x1480];
	v12 =	vadd.f32 v5, v12;
	v5 =	vmul.f32 v2, v0;
	v2 =	vsub.f32 $1.000000000e+00, v8  }
0x75: {  	vm0 =	vgt.f32 v8, $5.000000000e-01;
	v1 =	vmul.f32 v1, v8;
	v14 =	vadd.f32 v14, v16;
	v0 =	vld [tilespmem:s24+$0x400]  }
0x76: {  	v56 =	vld [tilespmem:s24+$0x1580];
	vm2 =	vgt.f32 v12, $5.000000000e-01;
	[tilespmem:s24+$0x380] =	vst v12;
	v2 =	vmul.f32 v2, v21;
	v12 =	vsub.f32 $1.000000000e+00, v47  }
0x77: {  	v58 =	vld [tilespmem:s24+$0x1600];
	vm7 =	vgt.f32 v14, $5.000000000e-01;
	v8 =	vmul.f32 v13, v6;
	v6 =	vsub.f32 $1.000000000e+00, v6  }
0x78: {  	v29 =	vmovc v19;
	v19 =	vld [tilespmem:s24+$0x880];
	vm2 =	vmneg vm2;
	v13 =	vmul.f32 v50, v23;
	vm5 =	vmand vm5, vm7  }
0x79: {  	v16 =	vld [tilespmem:s24+$0xB00];
	vm6 =	vmand vm1, vm2;
	v10 =	vadd.f32 v1, v2;
	v1 =	vmul.f32 v9, v47  }
0x7a: {  	v15 =	vld [tilespmem:s24+$0x980];
	v6 =	vmul.f32 v6, v20;
	v0 =	vmul.f32 v0, v3;
	v18 =	vsel vm6, v26, v24  }
0x7b: {  	v62 =	vmul.f32 v12, v45;
	v9 =	vmul.f32 v12, v18;
	v12 =	vsub.f32 $1.000000000e+00, v56  }
0x7c: {  	v18 =	vsel vm6, v27, v25;
	v8 =	vadd.f32 v8, v6;
	v2 =	vadd.f32 v0, v13  }
0x7d: {  	v35 =	vmovc v22;
	v13 =	vmul.f32 v11, v4;
	v11 =	vmul.f32 v19, v51;
	v19 =	vsub.f32 $1.000000000e+00, v51  }
0x7e: {  	v30 =	vmovc v21;
	v28 =	vmovc v20;
	v6 =	vmul.f32 v16, v17;
	v16 =	vsub.f32 $1.000000000e+00, v58;
	v0 =	vadd.f32 v9, v1  }
0x7f: {  	v36 =	vmovc v23;
	v38 =	vmovc v24;
	[tilespmem:s24+$0x100] =	vst v14;
	v9 =	vmul.f32 v15, v56;
	v1 =	vsub.f32 $1.000000000e+00, v7;
	vm4 =	vgt.f32 v8, $5.000000000e-01  }
0x80: {  	v40 =	vmovc v26;
	v39 =	vmovc v25;
	[tilespmem:s24+$0x180] =	vst v10;
	v60 =	vmul.f32 v19, v42;
	vm4 =	vmand vm3, vm4;
	vm3 =	vgt.f32 v10, $5.000000000e-01  }
0x81: {  	s25 =	simm.s32 $0xFFFFFE40;
	v63 =	vld [tilespmem:s24+$0xA00];
	v41 =	vmovc v27;
	[tilespmem:s24+$0x80] =	vst v8;
	v4 =	vmul.f32 v16, v44;
	v55 =	vmul.f32 v1, v43;
	vm3 =	vmneg vm3  }
.LBB2_2:
0x82: {  	v8 =	vld [tilespmem:$0x1FF50]  }
0x83: {  	v10 =	vld [tilespmem:$0x1FF80]  }
0x84: {  	v14 =	vld [tilespmem:$0x1FFD0]  }
0x85: {  	v15 =	vld [tilespmem:$0x1FF40]  }
0x86: {  	v23 =	vld [tilespmem:$0x1FE60]  }
0x87: {  	v24 =	vld [tilespmem:$0x1FE80]  }
0x88: {  	v22 =	vld [tilespmem:$0x1FF70]  }
0x89: {  	v26 =	vld [tilespmem:$0x1FF20]  }
0x8a: {  	v10 =	vsel vm3, v10, v8;
	v8 =	vld [tilespmem:$0x1FFB0]  }
0x8b: {  	v25 =	vld [tilespmem:$0x1FEC0]  }
0x8c: {  	v34 =	vsel vm4, v24, v23;
	v23 =	vmul.f32 v0, v47;
	v0 =	vld [tilespmem:$0x1FEA0]  }
0x8d: {  	v47 =	vld [tilespmem:$0x1FEF0]  }
0x8e: {  	v15 =	vsel vm3, v22, v15;
	v22 =	vsel vm0, v10, v26;
	v26 =	vld [tilespmem:$0x1FEE0]  }
0x8f: {  	v20 =	vsel vm2, v14, v8;
	v8 =	vld [tilespmem:$0x1FFC0]  }
0x90: {  	v14 =	vld [tilespmem:$0x1FFE0]  }
0x91: {  	v0 =	vsel vm5, v0, v34;
	v34 =	vld [tilespmem:$0x1FED0];
	_ =	sdelay $0x3  }
0x92: {  	v27 =	vld [tilespmem:$0x1FE90];
	v14 =	vsel vm2, v14, v8;
	vm2 =	vmand vm0, vm3  }
0x93: {  	v22 =	vmul.f32 v22, v57;
	v57 =	vsel vm2, v26, v25;
	v25 =	vsel vm2, v47, v34;
	v47 =	vld [tilespmem:$0x1FE70]  }
0x94: {  	v34 =	vld [tilespmem:$0x1FF10];
	_ =	sdelay $0x3  }
0x95: {  	v26 =	vsel vm4, v27, v47;
	v27 =	vld [tilespmem:$0x1FF30]  }
0x96: {  	v15 =	vsel vm0, v15, v34;
	v34 =	vld [tilespmem:$0x1FF60];
	_ =	sdelay $0x2  }
0x97: {  	s26 =	sshra.s32 s25, $0x2;
	v21 =	vld [tilespmem:s24+$0x900]  }
0x98: {  	v24 =	vld [tilespmem:s26+$0x1000]  }
0x99: {  	v27 =	vsel vm3, v34, v27;
	v34 =	vld [tilespmem:$0x1FF90]  }
0x9a: {  	v10 =	vld [tilespmem:$0x1FFA0]  }
0x9b: {  	v5 =	vadd.f32 v5, v22;
	v22 =	vadd.f32 v23, v62;
	v23 =	vld [tilespmem:s26+$0x1500]  }
0x9c: {  	v62 =	vld [tilespmem:s26+$0x1700]  }
0x9d: {  	v19 =	vmul.f32 v19, v0;
	v0 =	vld [tilespmem:s26+$0xE00]  }
0x9e: {  	v20 =	vsel vm1, v20, v34;
	v34 =	vld [tilespmem:$0x1FF00]  }
0x9f: {  	v14 =	vsel vm1, v14, v10;
	v10 =	vld [tilespmem:s26+$0xE80]  }
0xa0: {  	v53 =	vmul.f32 v15, v53;
	v15 =	vld [tilespmem:$0x1FEB0]  }
0xa1: {  	v18 =	vmul.f32 v54, v18;
	v52 =	vmul.f32 v14, v52;
	v14 =	vld [tilespmem:s26+$0x1080]  }
0xa2: {  	v63 =	vmul.f32 v63, v58;
	v47 =	vld [tilespmem:s26+$0x1680]  }
0xa3: {  	v6 =	vadd.f32 v18, v6;
	v16 =	vmul.f32 v16, v25;
	v27 =	vsel vm0, v27, v34;
	v34 =	vld [tilespmem:$0x1FFF0]  }
0xa4: {  	v21 =	vmul.f32 v21, v7;
	v11 =	vadd.f32 v19, v11;
	v8 =	vld [tilespmem:s26+$0xF00];
	v52 =	vadd.f32 v61, v52  }
0xa5: {  	v54 =	vsub.f32 $1.000000000e+00, v62;
	v16 =	vadd.f32 v16, v63;
	v26 =	vsel vm5, v15, v26;
	v15 =	vld [tilespmem:s26+$0xC80];
	[tilespmem:s24+$0xA80] =	vst v22  }
0xa6: {  	v59 =	vadd.f32 v59, v53;
	v53 =	vsub.f32 $1.000000000e+00, v10;
	v1 =	vmul.f32 v1, v26;
	v19 =	vld [tilespmem:s26+$0xA80];
	[tilespmem:s24+$0x480] =	vst v52  }
0xa7: {  	v52 =	vsub.f32 $1.000000000e+00, v14;
	v25 =	vld [tilespmem:s26+$0x180];
	[tilespmem:s24+$0x300] =	vst v5;
	v5 =	vmul.f32 v11, v51;
	v27 =	vmul.f32 v27, v48  }
0xa8: {  	v26 =	vsub.f32 $1.000000000e+00, v47;
	v11 =	vmul.f32 v12, v57;
	v61 =	vmul.f32 v12, v34;
	v12 =	vld [tilespmem:s26+$0x480];
	[tilespmem:s24+$0x280] =	vst v59  }
0xa9: {  	v1 =	vadd.f32 v1, v21;
	v13 =	vadd.f32 v13, v27;
	v21 =	vld [tilespmem:s26+$0x100]  }
0xaa: {  	v2 =	vmul.f32 v2, v3;
	v3 =	vmovc v24;
	v57 =	vsub.f32 $1.000000000e+00, v8;
	v9 =	vadd.f32 v11, v9;
	v22 =	vld [tilespmem:s26+$0x380]  }
0xab: {  	v11 =	vmul.f32 v16, v58;
	v5 =	vadd.f32 v5, v60;
	v20 =	vmul.f32 v20, v50;
	v16 =	vld [tilespmem:s26+$0xF80];
	[tilespmem:s24+$0x200] =	vst v13  }
0xac: {  	v50 =	vsub.f32 $1.000000000e+00, v3;
	v1 =	vmul.f32 v1, v7;
	v7 =	vmovc v23;
	v23 =	vsub.f32 $1.000000000e+00, v15;
	v13 =	vld [tilespmem:s26+$0x200]  }
0xad: {  	v9 =	vmul.f32 v9, v56;
	v4 =	vadd.f32 v11, v4;
	v2 =	vadd.f32 v2, v20;
	v18 =	vld [tilespmem:s26+$0xD00]  }
0xae: {  	v56 =	vmul.f32 v57, v33;
	v58 =	vadd.f32 v1, v55;
	v1 =	vsub.f32 $1.000000000e+00, v7;
	v11 =	vld [tilespmem:s26+$0xD80]  }
0xaf: {  	v48 =	vsub.f32 $1.000000000e+00, v0;
	v27 =	vmul.f32 v19, v47;
	v19 =	vld [tilespmem:s26+$0x300];
	[tilespmem:s24+$0xA00] =	vst v4;
	v4 =	vmul.f32 v6, v17  }
0xb0: {  	v55 =	vmul.f32 v1, v43;
	v34 =	vmul.f32 v54, v46;
	v6 =	vld [tilespmem:s26+$0x280];
	[tilespmem:s24+$0x880] =	vst v5;
	v5 =	vadd.f32 v9, v61  }
0xb1: {  	v24 =	vmul.f32 v48, v31;
	v17 =	vmovc v62;
	v62 =	vmul.f32 v26, v45;
	v4 =	vadd.f32 v4, v49  }
0xb2: {  	vm4 =	vgt.f32 v15, $5.000000000e-01;
	v51 =	vld [tilespmem:s26+$0x1480];
	v49 =	vmovc v34;
	v34 =	vmul.f32 v50, v36;
	v12 =	vmul.f32 v12, v14;
	[tilespmem:s24+$0x980] =	vst v5  }
0xb3: {  	v20 =	vmul.f32 v22, v16;
	[tilespmem:s24+$0xB00] =	vst v4;
	v59 =	vsub.f32 $1.000000000e+00, v16;
	vm1 =	vgt.f32 v16, $5.000000000e-01  }
0xb4: {  	v9 =	vmul.f32 v13, v0;
	v13 =	vmul.f32 v52, v37;
	v5 =	vsub.f32 $1.000000000e+00, v18;
	v63 =	vld [tilespmem:s26+$0xA00];
	[tilespmem:s24+$0x400] =	vst v2  }
0xb5: {  	v4 =	vmul.f32 v21, v18;
	v2 =	vmul.f32 v53, v32;
	[tilespmem:s24+$0x900] =	vst v58;
	s24 =	smov.u32 s26;
	vm0 =	vgt.f32 v11, $5.000000000e-01  }
0xb6: {  	v22 =	vld [tilespmem:s24+$0x80];
	v6 =	vmul.f32 v6, v10;
	v21 =	vmul.f32 v59, v35;
	v24 =	vadd.f32 v9, v24  }
0xb7: {  	v58 =	vld [tilespmem:s24+$0x1600];
	v9 =	vmul.f32 v19, v8;
	v12 =	vadd.f32 v12, v13;
	v19 =	vsub.f32 $1.000000000e+00, v51  }
0xb8: {  	v13 =	vmul.f32 v25, v11;
	v11 =	vsub.f32 $1.000000000e+00, v11;
	v2 =	vadd.f32 v6, v2  }
0xb9: {  	v6 =	vadd.f32 v9, v56;
	v9 =	vld [tilespmem:s24+$0x880];
	v61 =	vmul.f32 v12, v14;
	v60 =	vmul.f32 v19, v42  }
0xba: {  	vm5 =	vgt.f32 v18, $5.000000000e-01;
	v12 =	vmul.f32 v5, v29;
	v56 =	vld [tilespmem:s24+$0x1580];
	v59 =	vmul.f32 v2, v10  }
0xbb: {  	v10 =	vadd.f32 v20, v21;
	v5 =	vmul.f32 v6, v8;
	v8 =	vmul.f32 v11, v30  }
0xbc: {  	v2 =	vmul.f32 v22, v15;
	v6 =	vld [tilespmem:s24+$0x400];
	v14 =	vadd.f32 v4, v12;
	v16 =	vsub.f32 $1.000000000e+00, v58  }
0xbd: {  	vm2 =	vgt.f32 v10, $5.000000000e-01;
	[tilespmem:s24+$0x380] =	vst v10;
	v10 =	vmul.f32 v23, v28;
	v8 =	vadd.f32 v13, v8  }
0xbe: {  	v15 =	vld [tilespmem:s24+$0xB00];
	vm2 =	vmneg vm2;
	v4 =	vmul.f32 v16, v44;
	vm6 =	vgt.f32 v14, $5.000000000e-01  }
0xbf: {  	p0 =	sne.s32 s25, $0xFFFFFFC0;
	v11 =	vmul.f32 v9, v51;
	v9 =	vld [tilespmem:s24+$0x980];
	v12 =	vsub.f32 $1.000000000e+00, v56;
	vm3 =	vmand vm1, vm2  }
.Ltmp0:
0xc0: {  	v10 =	vadd.f32 v2, v10;
	vm5 =	vmand vm5, vm6;
	v13 =	vsel vm3, v40, v38;
	(pc) =	sbr.rel @p0 .LBB2_2-.Ltmp0, $4  }
0xc1: {  	v18 =	vsel vm3, v41, v39;
	vm3 =	vgt.f32 v8, $5.000000000e-01;
	v6 =	vmul.f32 v6, v3  }
0xc2: {  	[tilespmem:s24+$0x100] =	vst v14;
	v14 =	vmul.f32 v26, v13;
	vm7 =	vgt.f32 v10, $5.000000000e-01;
	v13 =	vmul.f32 v24, v0  }
0xc3: {  	[tilespmem:s24+$0x180] =	vst v8;
	vm3 =	vmneg vm3;
	vm4 =	vmand vm4, vm7;
	v2 =	vadd.f32 v6, v34  }
0xc4: {  	s25 =	sadd.s32 $0x40, s25;
	[tilespmem:s24+$0x80] =	vst v10;
	v6 =	vmul.f32 v15, v17;
	v0 =	vadd.f32 v14, v27;
	v9 =	vmul.f32 v9, v56  }
0xc5: {  	v8 =	vld [tilespmem:$0x1FF50]  }
0xc6: {  	v10 =	vld [tilespmem:$0x1FF80]  }
0xc7: {  	v32 =	vld [tilespmem:$0x1FFB0]  }
0xc8: {  	v14 =	vld [tilespmem:$0x1FFD0]  }
0xc9: {  	v33 =	vld [tilespmem:$0x1FFC0]  }
0xca: {  	v15 =	vld [tilespmem:$0x1FFE0]  }
0xcb: {  	v34 =	vld [tilespmem:$0x1FF20]  }
0xcc: {  	v35 =	vld [tilespmem:$0x1FF40]  }
0xcd: {  	v20 =	vld [tilespmem:$0x1FF70]  }
0xce: {  	v36 =	vld [tilespmem:$0x1FFA0]  }
0xcf: {  	v37 =	vld [tilespmem:$0x1FE60]  }
0xd0: {  	v21 =	vld [tilespmem:$0x1FE80]  }
0xd1: {  	v38 =	vld [tilespmem:$0x1FEA0]  }
0xd2: {  	v39 =	vld [tilespmem:$0x1FEC0]  }
0xd3: {  	v22 =	vld [tilespmem:$0x1FEE0]  }
0xd4: {  	v40 =	vld [tilespmem:$0x1FED0]  }
0xd5: {  	v23 =	vld [tilespmem:$0x1FEF0]  }
0xd6: {  	v41 =	vld [tilespmem:$0x1FF10]  }
0xd7: {  	v24 =	vld [tilespmem:$0x1FF30];
	v54 =	vmul.f32 v54, v18  }
0xd8: {  	v25 =	vld [tilespmem:$0x1FF60];
	v0 =	vmul.f32 v0, v47  }
0xd9: {  	vm15 =	vmand vm0, vm3;
	v42 =	vld [tilespmem:$0x1FE70];
	v6 =	vadd.f32 v54, v6  }
0xda: {  	v43 =	vld [tilespmem:$0x1FE90];
	v44 =	vmul.f32 v63, v58;
	v2 =	vmul.f32 v2, v3;
	v0 =	vadd.f32 v0, v62  }
0xdb: {  	v45 =	vld [tilespmem:s24+$0x900];
	v6 =	vmul.f32 v6, v17;
	v8 =	vsel vm3, v10, v8;
	v10 =	vsel vm2, v14, v32  }
0xdc: {  	v26 =	vld [tilespmem:$0x1FEB0];
	v14 =	vsel vm2, v15, v33;
	v15 =	vsel vm3, v20, v35;
	v20 =	vsel vm4, v21, v37  }
0xdd: {  	v46 =	vld [tilespmem:$0x1FF90];
	v21 =	vsel vm15, v22, v39;
	v22 =	vsel vm15, v23, v40;
	v24 =	vsel vm3, v25, v24  }
0xde: {  	v47 =	vld [tilespmem:$0x1FF00];
	v8 =	vsel vm0, v8, v34;
	v14 =	vsel vm1, v14, v36;
	v20 =	vsel vm5, v38, v20  }
0xdf: {  	v15 =	vsel vm0, v15, v41;
	v16 =	vmul.f32 v16, v22;
	v8 =	vmul.f32 v8, v57  }
0xe0: {  	v62 =	vadd.f32 v6, v49;
	v14 =	vmul.f32 v14, v52;
	v19 =	vmul.f32 v19, v20  }
0xe1: {  	v20 =	vsel vm4, v43, v42;
	v15 =	vmul.f32 v15, v53;
	v57 =	vmul.f32 v45, v7  }
0xe2: {  	v20 =	vsel vm5, v26, v20;
	v16 =	vadd.f32 v16, v44;
	v5 =	vadd.f32 v5, v8  }
0xe3: {  	[tilespmem:s24+$0xA80] =	vst v0;
	v8 =	vsel vm1, v10, v46;
	v10 =	vsel vm0, v24, v47;
	v14 =	vadd.f32 v61, v14  }
0xe4: {  	[tilespmem:s24+$0xB00] =	vst v62;
	v1 =	vmul.f32 v1, v20;
	v53 =	vadd.f32 v59, v15;
	v59 =	vld [tilespmem:$0x1FFF0];
	v10 =	vmul.f32 v10, v48  }
0xe5: {  	v52 =	vmul.f32 v12, v21;
	v11 =	vadd.f32 v19, v11;
	v16 =	vmul.f32 v16, v58;
	[tilespmem:s24+$0x480] =	vst v14  }
0xe6: {  	v8 =	vmul.f32 v8, v50;
	[tilespmem:s24+$0x300] =	vst v5;
	v1 =	vadd.f32 v1, v57;
	v10 =	vadd.f32 v13, v10  }
0xe7: {  	v9 =	vadd.f32 v52, v9;
	v58 =	vmul.f32 v11, v51;
	[tilespmem:s24+$0x280] =	vst v53;
	v4 =	vadd.f32 v16, v4  }
0xe8: {  	v2 =	vadd.f32 v2, v8;
	v1 =	vmul.f32 v1, v7;
	[tilespmem:s24+$0x200] =	vst v10  }
0xe9: {  	v61 =	vmul.f32 v9, v56;
	v5 =	vadd.f32 v58, v60;
	v11 =	vmul.f32 v12, v59;
	[tilespmem:s24+$0xA00] =	vst v4  }
0xea: {  	[tilespmem:s24+$0x400] =	vst v2;
	v63 =	vadd.f32 v1, v55  }
0xeb: {  	[tilespmem:s24+$0x880] =	vst v5;
	v0 =	vadd.f32 v61, v11  }
0xec: {  	[tilespmem:s24+$0x900] =	vst v63  }
0xed: {  	[tilespmem:s24+$0x980] =	vst v0  }
0xee: {  	[hbm4b:s10+s3] =	stream.linear.scatter [tilespmem:s3], [sflag:$0x1], $0x400, $0x38;
	[tilespmem:$0x3000] =	vst v63  }
0xef: {  	_ = 	snop  }
0xf0: {  	[hbm4b:s21+s3] =	stream.linear.scatter [tilespmem:s13], [sflag:$0x1], $0x80, $0x38;
	[tilespmem:$0x3000] =	vst v63  }
0xf1: {  	_ = 	snop  }
0xf2: {  	[hbm4b:s11+s13] =	stream.strided.scatter [tilespmem:s17], [sflag:$0x1], $0x0, s22, s13, $0x38;
	[tilespmem:$0x3000] =	vst v63  }
0xf3: {  	s23 =	sadd.s32 $0x1, s23  }
0xf4: {  	[hbm4b:s11+s3] =	stream.linear.scatter [tilespmem:s17], [sflag:$0x1], $0x300, $0x38;
	[tilespmem:$0x3000] =	vst v63  }
0xf5: {  	p0 =	sne.s32 s23, s12;
	_ =	swait.ge [sflag:s20], $0x480  }
.Ltmp1:
0xf6: {  	[sflag:s20] =	ssyncset.done $0x0;
	(pc) =	sbr.rel @p0 .LBB2_1-.Ltmp1, $4  }
0xf7: {  	[sflag:s20] =	ssyncadd.s32 $0xFFFFFB80  }
0xf8: {  	_ =	swait.ge [sflag:s20], $0x300  }
0xf9: {  	[sflag:s20] =	ssyncset.done $0x0  }
0xfa: {  	[sflag:s20] =	ssyncadd.s32 $0xFFFFFD00  }
0xfb: {  	_ =	sfence.sel $0x180000  }
0xfc: {  	[bflag:$0x0] =	sbarrier.arrive $0xFFFF  }
0xfd: {  	p0 =	sne.s32 s2, $0x0;
	_ =	strace $0x90000047  }
0xfe: {  	s0 =	sadd.s32 @!p0 $0x100000, s0;
	[bflag:$0x2] =	sbarrier.arrive $0xFFFF  }
0xff: {  	[sflag:s0] =	ssyncadd.tile.s32 @!p0 $0x1;
	_ =	shalt  }
.Lfunc_end2:
_tile_overlayer_lowered:
.L_overlay_start_2:
0x100: {  	(tag) =	ssettag $0x2  }
0x101: {  	s0 =	rddreg [dreg:$0x0];
	s2 =	stileid.u32  }
0x102: {  	s1 =	rddreg [dreg:$0x1];
	p0 =	sne.s32 s2, $0x0  }
0x103: {  	s3 =	rddreg [dreg:$0x2];
	[bflag:$0x3] =	sbarrier.arrive $0xFFFF;
	s2 =	simm.s32 @!p0 $0x1C02  }
0x104: {  	[timem:s3], [sflag:s2] =	dma.local @!p0 [hbm:s0], s1  }
0x105: {  	s0 =	simm.s32 @!p0 $0x2  }
0x106: {  	_ =	swait.ge @!p0 [sflag:s0], s1  }
0x107: {  	s1 =	ssub.s32 @!p0 $0x0, s1;
	[sflag:s0] =	ssyncset.done @!p0 $0x0  }
0x108: {  	[sflag:s0] =	ssyncadd.s32 @!p0 s1  }
0x109: {  	[bflag:$0x3] =	sbarrier.arrive $0xFFFF  }
0x10a: {  	_ =	shalt  }

</sc_bundles>
